<compile_context>
chip_gen: v7x
topology: tpu7x:2x2x1
jax: 0.10.2.dev20260603
libtpu: 0.0.44.dev20260713+nightly
codegen_flags: <defaults>
</compile_context>

<pallas_src>
import functools

import jax
import jax.numpy as jnp
from jax import lax
from jax.experimental import pallas as pl
from jax.experimental.pallas import tpu as pltpu
from jax.experimental.pallas import tpu_sc as plsc

_BATCH = 16384
_NUM_CORES = 1
_NUM_SUBCORES = 16
_NUM_WORKERS = _NUM_CORES * _NUM_SUBCORES
_PER_WORKER = _BATCH // _NUM_WORKERS
_CHUNK = 128
_NUM_CHUNKS = _PER_WORKER // _CHUNK

_mesh = plsc.VectorSubcoreMesh(core_axis_name="c", subcore_axis_name="s", num_cores=1)


@functools.partial(
    pl.kernel,
    mesh=_mesh,
    out_type=jax.ShapeDtypeStruct((_NUM_WORKERS, _NUM_CHUNKS, _CHUNK), jnp.float32),
    scratch_types=[
        pltpu.VMEM((_NUM_CHUNKS, _CHUNK), jnp.int32),
        pltpu.VMEM((_NUM_CHUNKS, _CHUNK), jnp.float32),
    ]
    + [pltpu.SemaphoreType.DMA] * _NUM_CHUNKS,
)
def _gather_kernel(w_hbm, idx_hbm, out_hbm, idx_v, vals_v, *gsems):
    wid = lax.axis_index("s") * _NUM_CORES + lax.axis_index("c")
    pltpu.sync_copy(idx_hbm.at[wid], idx_v)
    table = w_hbm.at[0]
    gathers = [
        pltpu.async_copy(table.at[idx_v.at[j]], vals_v.at[j], gsems[j])
        for j in range(_NUM_CHUNKS)
    ]
    stores = []
    for j in range(_NUM_CHUNKS):
        gathers[j].wait()
        stores.append(
            pltpu.async_copy(vals_v.at[j], out_hbm.at[wid].at[j], gsems[j])
        )
    for s in stores:
        s.wait()


def kernel(cur_step, W):
    idx = cur_step.astype(jnp.int32).reshape(_NUM_WORKERS, _NUM_CHUNKS, _CHUNK)
    out = _gather_kernel(W, idx)
    return out.reshape(_BATCH, 1)

# --- scband reference (transcript-rebuilt; emitter-appended) ---
"""Pipeline reference for scband-critic-network-80891414053232 (READ-ONLY COPY).

The authoritative reference and input builder live on the scoring server;
editing this copy changes nothing except your own understanding.
"""

import jax, jax.numpy as jnp
import numpy as np

BATCH = 16384
INPUT_DIM = 100000

def setup_inputs(seed: int = 0) -> dict:
    key = jax.random.key(seed)
    k1, k2 = jax.random.split(key)
    cur_step = jax.random.randint(k1, (BATCH,), 0, INPUT_DIM)
    # Learned parameter of nn.Linear(input_dim, 1, bias=False): weight shape [1, input_dim].
    # Original code zero-fills it; we use small random values so the benchmark is non-trivial.
    W = jax.random.normal(k2, (1, INPUT_DIM), dtype=jnp.float32) * 0.02
    return {"cur_step": cur_step, "W": W}

def reference(cur_step, W):
    # torch: one_hot(cur_step, input_dim).float() @ W.T -> [B, 1]
    # Mathematically identical to gathering columns of W (SparseCore-friendly gather).
    out = jnp.take(W, cur_step, axis=1).T  # [B, 1]
    return out

if __name__ == "__main__":
    import jax
    _d = setup_inputs()
    print(jax.jit(kernel)(*tuple(_d.values())))

</pallas_src>

<mosaic_0001>
#map = affine_map<(d0, d1) -> (0, 0)>
#map1 = affine_map<(d0, d1) -> (0, 0, 0)>
module attributes {stable_mosaic.version = 14 : i64} {
  func.func @_gather_kernel(%arg0: i32, %arg1: i32, %arg2: memref<1x100000xf32, #tpu.memory_space<hbm>>, %arg3: memref<16x8x128xi32, #tpu.memory_space<hbm>>, %arg4: memref<16x8x128xf32, #tpu.memory_space<hbm>>, %arg5: memref<8x128xi32, #tpu.memory_space<vmem>>, %arg6: memref<8x128xf32, #tpu.memory_space<vmem>>, %arg7: memref<!tpu.dma_semaphore, #tpu.memory_space<semaphore_mem>>, %arg8: memref<!tpu.dma_semaphore, #tpu.memory_space<semaphore_mem>>, %arg9: memref<!tpu.dma_semaphore, #tpu.memory_space<semaphore_mem>>, %arg10: memref<!tpu.dma_semaphore, #tpu.memory_space<semaphore_mem>>, %arg11: memref<!tpu.dma_semaphore, #tpu.memory_space<semaphore_mem>>, %arg12: memref<!tpu.dma_semaphore, #tpu.memory_space<semaphore_mem>>, %arg13: memref<!tpu.dma_semaphore, #tpu.memory_space<semaphore_mem>>, %arg14: memref<!tpu.dma_semaphore, #tpu.memory_space<semaphore_mem>>) attributes {dimension_semantics = [#tpu.dimension_semantics<core_parallel>, #tpu.dimension_semantics<subcore_parallel>], iteration_bounds = array<i64: 1, 16>, scalar_prefetch = 0 : i64, scratch_operands = 10 : i64, tpu.core_type = #tpu.core_type<sc_vector_subcore>, window_params = [{transform_indices = #map}, {transform_indices = #map1}, {transform_indices = #map1}]} {
    %mul3A = arith.constant 1 : i32
    %mul3A_0 = arith.muli %arg1, %mul3A : i32
    %add3A = arith.addi %mul3A_0, %arg0 : i32
    "tpu.region"() ({
      %run_scoped3A = tpu.sem_alloc : memref<!tpu.dma_semaphore, #tpu.memory_space<semaphore_mem>>
      %dma_start3A_575 = arith.constant 0 : i32
      %dma_start3A_576 = arith.constant 0 : i32
      %dma_start3A_577 = tpu.memref_slice %arg3[%add3A, %dma_start3A_575, %dma_start3A_576] : memref<16x8x128xi32, #tpu.memory_space<hbm>> -> memref<1x8x128xi32, #tpu.memory_space<hbm>>
      %dma_start3A_578 = tpu.memref_squeeze %dma_start3A_577 : memref<1x8x128xi32, #tpu.memory_space<hbm>> -> memref<8x128xi32, #tpu.memory_space<hbm>>
      %dma_start3A_579 = arith.constant 0 : i32
      %dma_start3A_580 = arith.constant 0 : i32
      %dma_start3A_581 = tpu.memref_slice %arg3[%add3A, %dma_start3A_579, %dma_start3A_580] : memref<16x8x128xi32, #tpu.memory_space<hbm>> -> memref<1x8x128xi32, #tpu.memory_space<hbm>>
      %dma_start3A_582 = tpu.memref_squeeze %dma_start3A_581 : memref<1x8x128xi32, #tpu.memory_space<hbm>> -> memref<8x128xi32, #tpu.memory_space<hbm>>
      tpu.enqueue_dma source(%dma_start3A_582 : memref<8x128xi32, #tpu.memory_space<hbm>>) target(%arg5 : memref<8x128xi32, #tpu.memory_space<vmem>>) target_semaphore(%run_scoped3A : memref<!tpu.dma_semaphore, #tpu.memory_space<semaphore_mem>>)
      %dma_wait3A_583 = arith.constant 0 : i32
      %dma_wait3A_584 = arith.constant 0 : i32
      %dma_wait3A_585 = tpu.memref_slice %arg3[%add3A, %dma_wait3A_583, %dma_wait3A_584] : memref<16x8x128xi32, #tpu.memory_space<hbm>> -> memref<1x8x128xi32, #tpu.memory_space<hbm>>
      %dma_wait3A_586 = tpu.memref_squeeze %dma_wait3A_585 : memref<1x8x128xi32, #tpu.memory_space<hbm>> -> memref<8x128xi32, #tpu.memory_space<hbm>>
      %dma_wait3A_587 = arith.constant 0 : i32
      %dma_wait3A_588 = arith.constant 0 : i32
      %dma_wait3A_589 = tpu.memref_slice %arg3[%add3A, %dma_wait3A_587, %dma_wait3A_588] : memref<16x8x128xi32, #tpu.memory_space<hbm>> -> memref<1x8x128xi32, #tpu.memory_space<hbm>>
      %dma_wait3A_590 = tpu.memref_squeeze %dma_wait3A_589 : memref<1x8x128xi32, #tpu.memory_space<hbm>> -> memref<8x128xi32, #tpu.memory_space<hbm>>
      tpu.wait_dma2 semaphore(%run_scoped3A : memref<!tpu.dma_semaphore, #tpu.memory_space<semaphore_mem>>) src(%dma_wait3A_590 : memref<8x128xi32, #tpu.memory_space<hbm>>) dst(%arg5 : memref<8x128xi32, #tpu.memory_space<vmem>>)
      tpu.yield
    }) : () -> ()
    %dma_start3A = arith.constant 0 : i32
    %dma_start3A_1 = arith.constant 0 : i32
    %dma_start3A_2 = arith.constant 0 : i32
    %dma_start3A_3 = arith.constant 0 : i32
    %dma_start3A_4 = tpu.memref_slice %arg6[%dma_start3A_2, %dma_start3A_3] : memref<8x128xf32, #tpu.memory_space<vmem>> -> memref<1x128xf32, #tpu.memory_space<vmem>>
    %dma_start3A_5 = tpu.memref_squeeze %dma_start3A_4 : memref<1x128xf32, #tpu.memory_space<vmem>> -> memref<128xf32, #tpu.memory_space<vmem>>
    %dma_start3A_6 = arith.constant 0 : i32
    %dma_start3A_7 = tpu.memref_slice %arg5[%dma_start3A_1, %dma_start3A_6] : memref<8x128xi32, #tpu.memory_space<vmem>> -> memref<1x128xi32, #tpu.memory_space<vmem>>
    %dma_start3A_8 = tpu.memref_squeeze %dma_start3A_7 : memref<1x128xi32, #tpu.memory_space<vmem>> -> memref<128xi32, #tpu.memory_space<vmem>>
    %dma_start3A_9 = arith.constant 0 : i32
    %dma_start3A_10 = tpu.memref_slice %arg2[%dma_start3A, %dma_start3A_9] : memref<1x100000xf32, #tpu.memory_space<hbm>> -> memref<1x100000xf32, #tpu.memory_space<hbm>>
    %dma_start3A_11 = tpu.memref_squeeze %dma_start3A_10 : memref<1x100000xf32, #tpu.memory_space<hbm>> -> memref<100000xf32, #tpu.memory_space<hbm>>
    %dma_start3A_12 = arith.constant 0 : i32
    %dma_start3A_13 = tpu.memref_slice %dma_start3A_11[%dma_start3A_12] : memref<100000xf32, #tpu.memory_space<hbm>> -> memref<100000xf32, #tpu.memory_space<hbm>>
    tpu.enqueue_indirect_dma source(%dma_start3A_13 : memref<100000xf32, #tpu.memory_space<hbm>>) target(%dma_start3A_5 : memref<128xf32, #tpu.memory_space<vmem>>) offsets(%dma_start3A_8 : memref<128xi32, #tpu.memory_space<vmem>>) semaphore(%arg7 : memref<!tpu.dma_semaphore, #tpu.memory_space<semaphore_mem>>)
    %dma_start3A_14 = arith.constant 0 : i32
    %dma_start3A_15 = arith.constant 1 : i32
    %dma_start3A_16 = arith.constant 1 : i32
    %dma_start3A_17 = arith.constant 0 : i32
    %dma_start3A_18 = tpu.memref_slice %arg6[%dma_start3A_16, %dma_start3A_17] : memref<8x128xf32, #tpu.memory_space<vmem>> -> memref<1x128xf32, #tpu.memory_space<vmem>>
    %dma_start3A_19 = tpu.memref_squeeze %dma_start3A_18 : memref<1x128xf32, #tpu.memory_space<vmem>> -> memref<128xf32, #tpu.memory_space<vmem>>
    %dma_start3A_20 = arith.constant 0 : i32
    %dma_start3A_21 = tpu.memref_slice %arg5[%dma_start3A_15, %dma_start3A_20] : memref<8x128xi32, #tpu.memory_space<vmem>> -> memref<1x128xi32, #tpu.memory_space<vmem>>
    %dma_start3A_22 = tpu.memref_squeeze %dma_start3A_21 : memref<1x128xi32, #tpu.memory_space<vmem>> -> memref<128xi32, #tpu.memory_space<vmem>>
    %dma_start3A_23 = arith.constant 0 : i32
    %dma_start3A_24 = tpu.memref_slice %arg2[%dma_start3A_14, %dma_start3A_23] : memref<1x100000xf32, #tpu.memory_space<hbm>> -> memref<1x100000xf32, #tpu.memory_space<hbm>>
    %dma_start3A_25 = tpu.memref_squeeze %dma_start3A_24 : memref<1x100000xf32, #tpu.memory_space<hbm>> -> memref<100000xf32, #tpu.memory_space<hbm>>
    %dma_start3A_26 = arith.constant 0 : i32
    %dma_start3A_27 = tpu.memref_slice %dma_start3A_25[%dma_start3A_26] : memref<100000xf32, #tpu.memory_space<hbm>> -> memref<100000xf32, #tpu.memory_space<hbm>>
    tpu.enqueue_indirect_dma source(%dma_start3A_27 : memref<100000xf32, #tpu.memory_space<hbm>>) target(%dma_start3A_19 : memref<128xf32, #tpu.memory_space<vmem>>) offsets(%dma_start3A_22 : memref<128xi32, #tpu.memory_space<vmem>>) semaphore(%arg8 : memref<!tpu.dma_semaphore, #tpu.memory_space<semaphore_mem>>)
    %dma_start3A_28 = arith.constant 0 : i32
    %dma_start3A_29 = arith.constant 2 : i32
    %dma_start3A_30 = arith.constant 2 : i32
    %dma_start3A_31 = arith.constant 0 : i32
    %dma_start3A_32 = tpu.memref_slice %arg6[%dma_start3A_30, %dma_start3A_31] : memref<8x128xf32, #tpu.memory_space<vmem>> -> memref<1x128xf32, #tpu.memory_space<vmem>>
    %dma_start3A_33 = tpu.memref_squeeze %dma_start3A_32 : memref<1x128xf32, #tpu.memory_space<vmem>> -> memref<128xf32, #tpu.memory_space<vmem>>
    %dma_start3A_34 = arith.constant 0 : i32
    %dma_start3A_35 = tpu.memref_slice %arg5[%dma_start3A_29, %dma_start3A_34] : memref<8x128xi32, #tpu.memory_space<vmem>> -> memref<1x128xi32, #tpu.memory_space<vmem>>
    %dma_start3A_36 = tpu.memref_squeeze %dma_start3A_35 : memref<1x128xi32, #tpu.memory_space<vmem>> -> memref<128xi32, #tpu.memory_space<vmem>>
    %dma_start3A_37 = arith.constant 0 : i32
    %dma_start3A_38 = tpu.memref_slice %arg2[%dma_start3A_28, %dma_start3A_37] : memref<1x100000xf32, #tpu.memory_space<hbm>> -> memref<1x100000xf32, #tpu.memory_space<hbm>>
    %dma_start3A_39 = tpu.memref_squeeze %dma_start3A_38 : memref<1x100000xf32, #tpu.memory_space<hbm>> -> memref<100000xf32, #tpu.memory_space<hbm>>
    %dma_start3A_40 = arith.constant 0 : i32
    %dma_start3A_41 = tpu.memref_slice %dma_start3A_39[%dma_start3A_40] : memref<100000xf32, #tpu.memory_space<hbm>> -> memref<100000xf32, #tpu.memory_space<hbm>>
    tpu.enqueue_indirect_dma source(%dma_start3A_41 : memref<100000xf32, #tpu.memory_space<hbm>>) target(%dma_start3A_33 : memref<128xf32, #tpu.memory_space<vmem>>) offsets(%dma_start3A_36 : memref<128xi32, #tpu.memory_space<vmem>>) semaphore(%arg9 : memref<!tpu.dma_semaphore, #tpu.memory_space<semaphore_mem>>)
    %dma_start3A_42 = arith.constant 0 : i32
    %dma_start3A_43 = arith.constant 3 : i32
    %dma_start3A_44 = arith.constant 3 : i32
    %dma_start3A_45 = arith.constant 0 : i32
    %dma_start3A_46 = tpu.memref_slice %arg6[%dma_start3A_44, %dma_start3A_45] : memref<8x128xf32, #tpu.memory_space<vmem>> -> memref<1x128xf32, #tpu.memory_space<vmem>>
    %dma_start3A_47 = tpu.memref_squeeze %dma_start3A_46 : memref<1x128xf32, #tpu.memory_space<vmem>> -> memref<128xf32, #tpu.memory_space<vmem>>
    %dma_start3A_48 = arith.constant 0 : i32
    %dma_start3A_49 = tpu.memref_slice %arg5[%dma_start3A_43, %dma_start3A_48] : memref<8x128xi32, #tpu.memory_space<vmem>> -> memref<1x128xi32, #tpu.memory_space<vmem>>
    %dma_start3A_50 = tpu.memref_squeeze %dma_start3A_49 : memref<1x128xi32, #tpu.memory_space<vmem>> -> memref<128xi32, #tpu.memory_space<vmem>>
    %dma_start3A_51 = arith.constant 0 : i32
    %dma_start3A_52 = tpu.memref_slice %arg2[%dma_start3A_42, %dma_start3A_51] : memref<1x100000xf32, #tpu.memory_space<hbm>> -> memref<1x100000xf32, #tpu.memory_space<hbm>>
    %dma_start3A_53 = tpu.memref_squeeze %dma_start3A_52 : memref<1x100000xf32, #tpu.memory_space<hbm>> -> memref<100000xf32, #tpu.memory_space<hbm>>
    %dma_start3A_54 = arith.constant 0 : i32
    %dma_start3A_55 = tpu.memref_slice %dma_start3A_53[%dma_start3A_54] : memref<100000xf32, #tpu.memory_space<hbm>> -> memref<100000xf32, #tpu.memory_space<hbm>>
    tpu.enqueue_indirect_dma source(%dma_start3A_55 : memref<100000xf32, #tpu.memory_space<hbm>>) target(%dma_start3A_47 : memref<128xf32, #tpu.memory_space<vmem>>) offsets(%dma_start3A_50 : memref<128xi32, #tpu.memory_space<vmem>>) semaphore(%arg10 : memref<!tpu.dma_semaphore, #tpu.memory_space<semaphore_mem>>)
    %dma_start3A_56 = arith.constant 0 : i32
    %dma_start3A_57 = arith.constant 4 : i32
    %dma_start3A_58 = arith.constant 4 : i32
    %dma_start3A_59 = arith.constant 0 : i32
    %dma_start3A_60 = tpu.memref_slice %arg6[%dma_start3A_58, %dma_start3A_59] : memref<8x128xf32, #tpu.memory_space<vmem>> -> memref<1x128xf32, #tpu.memory_space<vmem>>
    %dma_start3A_61 = tpu.memref_squeeze %dma_start3A_60 : memref<1x128xf32, #tpu.memory_space<vmem>> -> memref<128xf32, #tpu.memory_space<vmem>>
    %dma_start3A_62 = arith.constant 0 : i32
    %dma_start3A_63 = tpu.memref_slice %arg5[%dma_start3A_57, %dma_start3A_62] : memref<8x128xi32, #tpu.memory_space<vmem>> -> memref<1x128xi32, #tpu.memory_space<vmem>>
    %dma_start3A_64 = tpu.memref_squeeze %dma_start3A_63 : memref<1x128xi32, #tpu.memory_space<vmem>> -> memref<128xi32, #tpu.memory_space<vmem>>
    %dma_start3A_65 = arith.constant 0 : i32
    %dma_start3A_66 = tpu.memref_slice %arg2[%dma_start3A_56, %dma_start3A_65] : memref<1x100000xf32, #tpu.memory_space<hbm>> -> memref<1x100000xf32, #tpu.memory_space<hbm>>
    %dma_start3A_67 = tpu.memref_squeeze %dma_start3A_66 : memref<1x100000xf32, #tpu.memory_space<hbm>> -> memref<100000xf32, #tpu.memory_space<hbm>>
    %dma_start3A_68 = arith.constant 0 : i32
    %dma_start3A_69 = tpu.memref_slice %dma_start3A_67[%dma_start3A_68] : memref<100000xf32, #tpu.memory_space<hbm>> -> memref<100000xf32, #tpu.memory_space<hbm>>
    tpu.enqueue_indirect_dma source(%dma_start3A_69 : memref<100000xf32, #tpu.memory_space<hbm>>) target(%dma_start3A_61 : memref<128xf32, #tpu.memory_space<vmem>>) offsets(%dma_start3A_64 : memref<128xi32, #tpu.memory_space<vmem>>) semaphore(%arg11 : memref<!tpu.dma_semaphore, #tpu.memory_space<semaphore_mem>>)
    %dma_start3A_70 = arith.constant 0 : i32
    %dma_start3A_71 = arith.constant 5 : i32
    %dma_start3A_72 = arith.constant 5 : i32
    %dma_start3A_73 = arith.constant 0 : i32
    %dma_start3A_74 = tpu.memref_slice %arg6[%dma_start3A_72, %dma_start3A_73] : memref<8x128xf32, #tpu.memory_space<vmem>> -> memref<1x128xf32, #tpu.memory_space<vmem>>
    %dma_start3A_75 = tpu.memref_squeeze %dma_start3A_74 : memref<1x128xf32, #tpu.memory_space<vmem>> -> memref<128xf32, #tpu.memory_space<vmem>>
    %dma_start3A_76 = arith.constant 0 : i32
    %dma_start3A_77 = tpu.memref_slice %arg5[%dma_start3A_71, %dma_start3A_76] : memref<8x128xi32, #tpu.memory_space<vmem>> -> memref<1x128xi32, #tpu.memory_space<vmem>>
    %dma_start3A_78 = tpu.memref_squeeze %dma_start3A_77 : memref<1x128xi32, #tpu.memory_space<vmem>> -> memref<128xi32, #tpu.memory_space<vmem>>
    %dma_start3A_79 = arith.constant 0 : i32
    %dma_start3A_80 = tpu.memref_slice %arg2[%dma_start3A_70, %dma_start3A_79] : memref<1x100000xf32, #tpu.memory_space<hbm>> -> memref<1x100000xf32, #tpu.memory_space<hbm>>
    %dma_start3A_81 = tpu.memref_squeeze %dma_start3A_80 : memref<1x100000xf32, #tpu.memory_space<hbm>> -> memref<100000xf32, #tpu.memory_space<hbm>>
    %dma_start3A_82 = arith.constant 0 : i32
    %dma_start3A_83 = tpu.memref_slice %dma_start3A_81[%dma_start3A_82] : memref<100000xf32, #tpu.memory_space<hbm>> -> memref<100000xf32, #tpu.memory_space<hbm>>
    tpu.enqueue_indirect_dma source(%dma_start3A_83 : memref<100000xf32, #tpu.memory_space<hbm>>) target(%dma_start3A_75 : memref<128xf32, #tpu.memory_space<vmem>>) offsets(%dma_start3A_78 : memref<128xi32, #tpu.memory_space<vmem>>) semaphore(%arg12 : memref<!tpu.dma_semaphore, #tpu.memory_space<semaphore_mem>>)
    %dma_start3A_84 = arith.constant 0 : i32
    %dma_start3A_85 = arith.constant 6 : i32
    %dma_start3A_86 = arith.constant 6 : i32
    %dma_start3A_87 = arith.constant 0 : i32
    %dma_start3A_88 = tpu.memref_slice %arg6[%dma_start3A_86, %dma_start3A_87] : memref<8x128xf32, #tpu.memory_space<vmem>> -> memref<1x128xf32, #tpu.memory_space<vmem>>
    %dma_start3A_89 = tpu.memref_squeeze %dma_start3A_88 : memref<1x128xf32, #tpu.memory_space<vmem>> -> memref<128xf32, #tpu.memory_space<vmem>>
    %dma_start3A_90 = arith.constant 0 : i32
    %dma_start3A_91 = tpu.memref_slice %arg5[%dma_start3A_85, %dma_start3A_90] : memref<8x128xi32, #tpu.memory_space<vmem>> -> memref<1x128xi32, #tpu.memory_space<vmem>>
    %dma_start3A_92 = tpu.memref_squeeze %dma_start3A_91 : memref<1x128xi32, #tpu.memory_space<vmem>> -> memref<128xi32, #tpu.memory_space<vmem>>
    %dma_start3A_93 = arith.constant 0 : i32
    %dma_start3A_94 = tpu.memref_slice %arg2[%dma_start3A_84, %dma_start3A_93] : memref<1x100000xf32, #tpu.memory_space<hbm>> -> memref<1x100000xf32, #tpu.memory_space<hbm>>
    %dma_start3A_95 = tpu.memref_squeeze %dma_start3A_94 : memref<1x100000xf32, #tpu.memory_space<hbm>> -> memref<100000xf32, #tpu.memory_space<hbm>>
    %dma_start3A_96 = arith.constant 0 : i32
    %dma_start3A_97 = tpu.memref_slice %dma_start3A_95[%dma_start3A_96] : memref<100000xf32, #tpu.memory_space<hbm>> -> memref<100000xf32, #tpu.memory_space<hbm>>
    tpu.enqueue_indirect_dma source(%dma_start3A_97 : memref<100000xf32, #tpu.memory_space<hbm>>) target(%dma_start3A_89 : memref<128xf32, #tpu.memory_space<vmem>>) offsets(%dma_start3A_92 : memref<128xi32, #tpu.memory_space<vmem>>) semaphore(%arg13 : memref<!tpu.dma_semaphore, #tpu.memory_space<semaphore_mem>>)
    %dma_start3A_98 = arith.constant 0 : i32
    %dma_start3A_99 = arith.constant 7 : i32
    %dma_start3A_100 = arith.constant 7 : i32
    %dma_start3A_101 = arith.constant 0 : i32
    %dma_start3A_102 = tpu.memref_slice %arg6[%dma_start3A_100, %dma_start3A_101] : memref<8x128xf32, #tpu.memory_space<vmem>> -> memref<1x128xf32, #tpu.memory_space<vmem>>
    %dma_start3A_103 = tpu.memref_squeeze %dma_start3A_102 : memref<1x128xf32, #tpu.memory_space<vmem>> -> memref<128xf32, #tpu.memory_space<vmem>>
    %dma_start3A_104 = arith.constant 0 : i32
    %dma_start3A_105 = tpu.memref_slice %arg5[%dma_start3A_99, %dma_start3A_104] : memref<8x128xi32, #tpu.memory_space<vmem>> -> memref<1x128xi32, #tpu.memory_space<vmem>>
    %dma_start3A_106 = tpu.memref_squeeze %dma_start3A_105 : memref<1x128xi32, #tpu.memory_space<vmem>> -> memref<128xi32, #tpu.memory_space<vmem>>
    %dma_start3A_107 = arith.constant 0 : i32
    %dma_start3A_108 = tpu.memref_slice %arg2[%dma_start3A_98, %dma_start3A_107] : memref<1x100000xf32, #tpu.memory_space<hbm>> -> memref<1x100000xf32, #tpu.memory_space<hbm>>
    %dma_start3A_109 = tpu.memref_squeeze %dma_start3A_108 : memref<1x100000xf32, #tpu.memory_space<hbm>> -> memref<100000xf32, #tpu.memory_space<hbm>>
    %dma_start3A_110 = arith.constant 0 : i32
    %dma_start3A_111 = tpu.memref_slice %dma_start3A_109[%dma_start3A_110] : memref<100000xf32, #tpu.memory_space<hbm>> -> memref<100000xf32, #tpu.memory_space<hbm>>
    tpu.enqueue_indirect_dma source(%dma_start3A_111 : memref<100000xf32, #tpu.memory_space<hbm>>) target(%dma_start3A_103 : memref<128xf32, #tpu.memory_space<vmem>>) offsets(%dma_start3A_106 : memref<128xi32, #tpu.memory_space<vmem>>) semaphore(%arg14 : memref<!tpu.dma_semaphore, #tpu.memory_space<semaphore_mem>>)
    %dma_wait3A = arith.constant 0 : i32
    %dma_wait3A_112 = arith.constant 0 : i32
    %dma_wait3A_113 = arith.constant 0 : i32
    %dma_wait3A_114 = arith.constant 0 : i32
    %dma_wait3A_115 = tpu.memref_slice %arg6[%dma_wait3A_113, %dma_wait3A_114] : memref<8x128xf32, #tpu.memory_space<vmem>> -> memref<1x128xf32, #tpu.memory_space<vmem>>
    %dma_wait3A_116 = tpu.memref_squeeze %dma_wait3A_115 : memref<1x128xf32, #tpu.memory_space<vmem>> -> memref<128xf32, #tpu.memory_space<vmem>>
    %dma_wait3A_117 = arith.constant 0 : i32
    %dma_wait3A_118 = tpu.memref_slice %arg5[%dma_wait3A_112, %dma_wait3A_117] : memref<8x128xi32, #tpu.memory_space<vmem>> -> memref<1x128xi32, #tpu.memory_space<vmem>>
    %dma_wait3A_119 = tpu.memref_squeeze %dma_wait3A_118 : memref<1x128xi32, #tpu.memory_space<vmem>> -> memref<128xi32, #tpu.memory_space<vmem>>
    %dma_wait3A_120 = arith.constant 0 : i32
    %dma_wait3A_121 = tpu.memref_slice %arg2[%dma_wait3A, %dma_wait3A_120] : memref<1x100000xf32, #tpu.memory_space<hbm>> -> memref<1x100000xf32, #tpu.memory_space<hbm>>
    %dma_wait3A_122 = tpu.memref_squeeze %dma_wait3A_121 : memref<1x100000xf32, #tpu.memory_space<hbm>> -> memref<100000xf32, #tpu.memory_space<hbm>>
    %dma_wait3A_123 = arith.constant 0 : i32
    %dma_wait3A_124 = tpu.memref_slice %dma_wait3A_122[%dma_wait3A_123] : memref<100000xf32, #tpu.memory_space<hbm>> -> memref<100000xf32, #tpu.memory_space<hbm>>
    tpu.wait_indirect_dma semaphore(%arg7 : memref<!tpu.dma_semaphore, #tpu.memory_space<semaphore_mem>>) src(%dma_wait3A_124 : memref<100000xf32, #tpu.memory_space<hbm>>) dst(%dma_wait3A_116 : memref<128xf32, #tpu.memory_space<vmem>>)
    %dma_start3A_125 = arith.constant 0 : i32
    %dma_start3A_126 = arith.constant 0 : i32
    %dma_start3A_127 = arith.constant 0 : i32
    %dma_start3A_128 = tpu.memref_slice %arg6[%dma_start3A_125, %dma_start3A_127] : memref<8x128xf32, #tpu.memory_space<vmem>> -> memref<1x128xf32, #tpu.memory_space<vmem>>
    %dma_start3A_129 = tpu.memref_squeeze %dma_start3A_128 : memref<1x128xf32, #tpu.memory_space<vmem>> -> memref<128xf32, #tpu.memory_space<vmem>>
    %dma_start3A_130 = arith.constant 0 : i32
    %dma_start3A_131 = arith.constant 0 : i32
    %dma_start3A_132 = tpu.memref_slice %arg4[%add3A, %dma_start3A_130, %dma_start3A_131] : memref<16x8x128xf32, #tpu.memory_space<hbm>> -> memref<1x8x128xf32, #tpu.memory_space<hbm>>
    %dma_start3A_133 = tpu.memref_squeeze %dma_start3A_132 : memref<1x8x128xf32, #tpu.memory_space<hbm>> -> memref<8x128xf32, #tpu.memory_space<hbm>>
    %dma_start3A_134 = arith.constant 0 : i32
    %dma_start3A_135 = tpu.memref_slice %dma_start3A_133[%dma_start3A_126, %dma_start3A_134] : memref<8x128xf32, #tpu.memory_space<hbm>> -> memref<1x128xf32, #tpu.memory_space<hbm>>
    %dma_start3A_136 = tpu.memref_squeeze %dma_start3A_135 : memref<1x128xf32, #tpu.memory_space<hbm>> -> memref<128xf32, #tpu.memory_space<hbm>>
    %dma_start3A_137 = arith.constant 0 : i32
    %dma_start3A_138 = arith.constant 0 : i32
    %dma_start3A_139 = tpu.memref_slice %arg4[%add3A, %dma_start3A_137, %dma_start3A_138] : memref<16x8x128xf32, #tpu.memory_space<hbm>> -> memref<1x8x128xf32, #tpu.memory_space<hbm>>
    %dma_start3A_140 = tpu.memref_squeeze %dma_start3A_139 : memref<1x8x128xf32, #tpu.memory_space<hbm>> -> memref<8x128xf32, #tpu.memory_space<hbm>>
    %dma_start3A_141 = arith.constant 0 : i32
    %dma_start3A_142 = tpu.memref_slice %dma_start3A_140[%dma_start3A_126, %dma_start3A_141] : memref<8x128xf32, #tpu.memory_space<hbm>> -> memref<1x128xf32, #tpu.memory_space<hbm>>
    %dma_start3A_143 = tpu.memref_squeeze %dma_start3A_142 : memref<1x128xf32, #tpu.memory_space<hbm>> -> memref<128xf32, #tpu.memory_space<hbm>>
    %dma_start3A_144 = arith.constant 0 : i32
    %dma_start3A_145 = tpu.memref_slice %arg6[%dma_start3A_125, %dma_start3A_144] : memref<8x128xf32, #tpu.memory_space<vmem>> -> memref<1x128xf32, #tpu.memory_space<vmem>>
    %dma_start3A_146 = tpu.memref_squeeze %dma_start3A_145 : memref<1x128xf32, #tpu.memory_space<vmem>> -> memref<128xf32, #tpu.memory_space<vmem>>
    tpu.enqueue_dma source(%dma_start3A_146 : memref<128xf32, #tpu.memory_space<vmem>>) target(%dma_start3A_143 : memref<128xf32, #tpu.memory_space<hbm>>) target_semaphore(%arg7 : memref<!tpu.dma_semaphore, #tpu.memory_space<semaphore_mem>>)
    %dma_wait3A_147 = arith.constant 0 : i32
    %dma_wait3A_148 = arith.constant 1 : i32
    %dma_wait3A_149 = arith.constant 1 : i32
    %dma_wait3A_150 = arith.constant 0 : i32
    %dma_wait3A_151 = tpu.memref_slice %arg6[%dma_wait3A_149, %dma_wait3A_150] : memref<8x128xf32, #tpu.memory_space<vmem>> -> memref<1x128xf32, #tpu.memory_space<vmem>>
    %dma_wait3A_152 = tpu.memref_squeeze %dma_wait3A_151 : memref<1x128xf32, #tpu.memory_space<vmem>> -> memref<128xf32, #tpu.memory_space<vmem>>
    %dma_wait3A_153 = arith.constant 0 : i32
    %dma_wait3A_154 = tpu.memref_slice %arg5[%dma_wait3A_148, %dma_wait3A_153] : memref<8x128xi32, #tpu.memory_space<vmem>> -> memref<1x128xi32, #tpu.memory_space<vmem>>
    %dma_wait3A_155 = tpu.memref_squeeze %dma_wait3A_154 : memref<1x128xi32, #tpu.memory_space<vmem>> -> memref<128xi32, #tpu.memory_space<vmem>>
    %dma_wait3A_156 = arith.constant 0 : i32
    %dma_wait3A_157 = tpu.memref_slice %arg2[%dma_wait3A_147, %dma_wait3A_156] : memref<1x100000xf32, #tpu.memory_space<hbm>> -> memref<1x100000xf32, #tpu.memory_space<hbm>>
    %dma_wait3A_158 = tpu.memref_squeeze %dma_wait3A_157 : memref<1x100000xf32, #tpu.memory_space<hbm>> -> memref<100000xf32, #tpu.memory_space<hbm>>
    %dma_wait3A_159 = arith.constant 0 : i32
    %dma_wait3A_160 = tpu.memref_slice %dma_wait3A_158[%dma_wait3A_159] : memref<100000xf32, #tpu.memory_space<hbm>> -> memref<100000xf32, #tpu.memory_space<hbm>>
    tpu.wait_indirect_dma semaphore(%arg8 : memref<!tpu.dma_semaphore, #tpu.memory_space<semaphore_mem>>) src(%dma_wait3A_160 : memref<100000xf32, #tpu.memory_space<hbm>>) dst(%dma_wait3A_152 : memref<128xf32, #tpu.memory_space<vmem>>)
    %dma_start3A_161 = arith.constant 1 : i32
    %dma_start3A_162 = arith.constant 1 : i32
    %dma_start3A_163 = arith.constant 0 : i32
    %dma_start3A_164 = tpu.memref_slice %arg6[%dma_start3A_161, %dma_start3A_163] : memref<8x128xf32, #tpu.memory_space<vmem>> -> memref<1x128xf32, #tpu.memory_space<vmem>>
    %dma_start3A_165 = tpu.memref_squeeze %dma_start3A_164 : memref<1x128xf32, #tpu.memory_space<vmem>> -> memref<128xf32, #tpu.memory_space<vmem>>
    %dma_start3A_166 = arith.constant 0 : i32
    %dma_start3A_167 = arith.constant 0 : i32
    %dma_start3A_168 = tpu.memref_slice %arg4[%add3A, %dma_start3A_166, %dma_start3A_167] : memref<16x8x128xf32, #tpu.memory_space<hbm>> -> memref<1x8x128xf32, #tpu.memory_space<hbm>>
    %dma_start3A_169 = tpu.memref_squeeze %dma_start3A_168 : memref<1x8x128xf32, #tpu.memory_space<hbm>> -> memref<8x128xf32, #tpu.memory_space<hbm>>
    %dma_start3A_170 = arith.constant 0 : i32
    %dma_start3A_171 = tpu.memref_slice %dma_start3A_169[%dma_start3A_162, %dma_start3A_170] : memref<8x128xf32, #tpu.memory_space<hbm>> -> memref<1x128xf32, #tpu.memory_space<hbm>>
    %dma_start3A_172 = tpu.memref_squeeze %dma_start3A_171 : memref<1x128xf32, #tpu.memory_space<hbm>> -> memref<128xf32, #tpu.memory_space<hbm>>
    %dma_start3A_173 = arith.constant 0 : i32
    %dma_start3A_174 = arith.constant 0 : i32
    %dma_start3A_175 = tpu.memref_slice %arg4[%add3A, %dma_start3A_173, %dma_start3A_174] : memref<16x8x128xf32, #tpu.memory_space<hbm>> -> memref<1x8x128xf32, #tpu.memory_space<hbm>>
    %dma_start3A_176 = tpu.memref_squeeze %dma_start3A_175 : memref<1x8x128xf32, #tpu.memory_space<hbm>> -> memref<8x128xf32, #tpu.memory_space<hbm>>
    %dma_start3A_177 = arith.constant 0 : i32
    %dma_start3A_178 = tpu.memref_slice %dma_start3A_176[%dma_start3A_162, %dma_start3A_177] : memref<8x128xf32, #tpu.memory_space<hbm>> -> memref<1x128xf32, #tpu.memory_space<hbm>>
    %dma_start3A_179 = tpu.memref_squeeze %dma_start3A_178 : memref<1x128xf32, #tpu.memory_space<hbm>> -> memref<128xf32, #tpu.memory_space<hbm>>
    %dma_start3A_180 = arith.constant 0 : i32
    %dma_start3A_181 = tpu.memref_slice %arg6[%dma_start3A_161, %dma_start3A_180] : memref<8x128xf32, #tpu.memory_space<vmem>> -> memref<1x128xf32, #tpu.memory_space<vmem>>
    %dma_start3A_182 = tpu.memref_squeeze %dma_start3A_181 : memref<1x128xf32, #tpu.memory_space<vmem>> -> memref<128xf32, #tpu.memory_space<vmem>>
    tpu.enqueue_dma source(%dma_start3A_182 : memref<128xf32, #tpu.memory_space<vmem>>) target(%dma_start3A_179 : memref<128xf32, #tpu.memory_space<hbm>>) target_semaphore(%arg8 : memref<!tpu.dma_semaphore, #tpu.memory_space<semaphore_mem>>)
    %dma_wait3A_183 = arith.constant 0 : i32
    %dma_wait3A_184 = arith.constant 2 : i32
    %dma_wait3A_185 = arith.constant 2 : i32
    %dma_wait3A_186 = arith.constant 0 : i32
    %dma_wait3A_187 = tpu.memref_slice %arg6[%dma_wait3A_185, %dma_wait3A_186] : memref<8x128xf32, #tpu.memory_space<vmem>> -> memref<1x128xf32, #tpu.memory_space<vmem>>
    %dma_wait3A_188 = tpu.memref_squeeze %dma_wait3A_187 : memref<1x128xf32, #tpu.memory_space<vmem>> -> memref<128xf32, #tpu.memory_space<vmem>>
    %dma_wait3A_189 = arith.constant 0 : i32
    %dma_wait3A_190 = tpu.memref_slice %arg5[%dma_wait3A_184, %dma_wait3A_189] : memref<8x128xi32, #tpu.memory_space<vmem>> -> memref<1x128xi32, #tpu.memory_space<vmem>>
    %dma_wait3A_191 = tpu.memref_squeeze %dma_wait3A_190 : memref<1x128xi32, #tpu.memory_space<vmem>> -> memref<128xi32, #tpu.memory_space<vmem>>
    %dma_wait3A_192 = arith.constant 0 : i32
    %dma_wait3A_193 = tpu.memref_slice %arg2[%dma_wait3A_183, %dma_wait3A_192] : memref<1x100000xf32, #tpu.memory_space<hbm>> -> memref<1x100000xf32, #tpu.memory_space<hbm>>
    %dma_wait3A_194 = tpu.memref_squeeze %dma_wait3A_193 : memref<1x100000xf32, #tpu.memory_space<hbm>> -> memref<100000xf32, #tpu.memory_space<hbm>>
    %dma_wait3A_195 = arith.constant 0 : i32
    %dma_wait3A_196 = tpu.memref_slice %dma_wait3A_194[%dma_wait3A_195] : memref<100000xf32, #tpu.memory_space<hbm>> -> memref<100000xf32, #tpu.memory_space<hbm>>
    tpu.wait_indirect_dma semaphore(%arg9 : memref<!tpu.dma_semaphore, #tpu.memory_space<semaphore_mem>>) src(%dma_wait3A_196 : memref<100000xf32, #tpu.memory_space<hbm>>) dst(%dma_wait3A_188 : memref<128xf32, #tpu.memory_space<vmem>>)
    %dma_start3A_197 = arith.constant 2 : i32
    %dma_start3A_198 = arith.constant 2 : i32
    %dma_start3A_199 = arith.constant 0 : i32
    %dma_start3A_200 = tpu.memref_slice %arg6[%dma_start3A_197, %dma_start3A_199] : memref<8x128xf32, #tpu.memory_space<vmem>> -> memref<1x128xf32, #tpu.memory_space<vmem>>
    %dma_start3A_201 = tpu.memref_squeeze %dma_start3A_200 : memref<1x128xf32, #tpu.memory_space<vmem>> -> memref<128xf32, #tpu.memory_space<vmem>>
    %dma_start3A_202 = arith.constant 0 : i32
    %dma_start3A_203 = arith.constant 0 : i32
    %dma_start3A_204 = tpu.memref_slice %arg4[%add3A, %dma_start3A_202, %dma_start3A_203] : memref<16x8x128xf32, #tpu.memory_space<hbm>> -> memref<1x8x128xf32, #tpu.memory_space<hbm>>
    %dma_start3A_205 = tpu.memref_squeeze %dma_start3A_204 : memref<1x8x128xf32, #tpu.memory_space<hbm>> -> memref<8x128xf32, #tpu.memory_space<hbm>>
    %dma_start3A_206 = arith.constant 0 : i32
    %dma_start3A_207 = tpu.memref_slice %dma_start3A_205[%dma_start3A_198, %dma_start3A_206] : memref<8x128xf32, #tpu.memory_space<hbm>> -> memref<1x128xf32, #tpu.memory_space<hbm>>
    %dma_start3A_208 = tpu.memref_squeeze %dma_start3A_207 : memref<1x128xf32, #tpu.memory_space<hbm>> -> memref<128xf32, #tpu.memory_space<hbm>>
    %dma_start3A_209 = arith.constant 0 : i32
    %dma_start3A_210 = arith.constant 0 : i32
    %dma_start3A_211 = tpu.memref_slice %arg4[%add3A, %dma_start3A_209, %dma_start3A_210] : memref<16x8x128xf32, #tpu.memory_space<hbm>> -> memref<1x8x128xf32, #tpu.memory_space<hbm>>
    %dma_start3A_212 = tpu.memref_squeeze %dma_start3A_211 : memref<1x8x128xf32, #tpu.memory_space<hbm>> -> memref<8x128xf32, #tpu.memory_space<hbm>>
    %dma_start3A_213 = arith.constant 0 : i32
    %dma_start3A_214 = tpu.memref_slice %dma_start3A_212[%dma_start3A_198, %dma_start3A_213] : memref<8x128xf32, #tpu.memory_space<hbm>> -> memref<1x128xf32, #tpu.memory_space<hbm>>
    %dma_start3A_215 = tpu.memref_squeeze %dma_start3A_214 : memref<1x128xf32, #tpu.memory_space<hbm>> -> memref<128xf32, #tpu.memory_space<hbm>>
    %dma_start3A_216 = arith.constant 0 : i32
    %dma_start3A_217 = tpu.memref_slice %arg6[%dma_start3A_197, %dma_start3A_216] : memref<8x128xf32, #tpu.memory_space<vmem>> -> memref<1x128xf32, #tpu.memory_space<vmem>>
    %dma_start3A_218 = tpu.memref_squeeze %dma_start3A_217 : memref<1x128xf32, #tpu.memory_space<vmem>> -> memref<128xf32, #tpu.memory_space<vmem>>
    tpu.enqueue_dma source(%dma_start3A_218 : memref<128xf32, #tpu.memory_space<vmem>>) target(%dma_start3A_215 : memref<128xf32, #tpu.memory_space<hbm>>) target_semaphore(%arg9 : memref<!tpu.dma_semaphore, #tpu.memory_space<semaphore_mem>>)
    %dma_wait3A_219 = arith.constant 0 : i32
    %dma_wait3A_220 = arith.constant 3 : i32
    %dma_wait3A_221 = arith.constant 3 : i32
    %dma_wait3A_222 = arith.constant 0 : i32
    %dma_wait3A_223 = tpu.memref_slice %arg6[%dma_wait3A_221, %dma_wait3A_222] : memref<8x128xf32, #tpu.memory_space<vmem>> -> memref<1x128xf32, #tpu.memory_space<vmem>>
    %dma_wait3A_224 = tpu.memref_squeeze %dma_wait3A_223 : memref<1x128xf32, #tpu.memory_space<vmem>> -> memref<128xf32, #tpu.memory_space<vmem>>
    %dma_wait3A_225 = arith.constant 0 : i32
    %dma_wait3A_226 = tpu.memref_slice %arg5[%dma_wait3A_220, %dma_wait3A_225] : memref<8x128xi32, #tpu.memory_space<vmem>> -> memref<1x128xi32, #tpu.memory_space<vmem>>
    %dma_wait3A_227 = tpu.memref_squeeze %dma_wait3A_226 : memref<1x128xi32, #tpu.memory_space<vmem>> -> memref<128xi32, #tpu.memory_space<vmem>>
    %dma_wait3A_228 = arith.constant 0 : i32
    %dma_wait3A_229 = tpu.memref_slice %arg2[%dma_wait3A_219, %dma_wait3A_228] : memref<1x100000xf32, #tpu.memory_space<hbm>> -> memref<1x100000xf32, #tpu.memory_space<hbm>>
    %dma_wait3A_230 = tpu.memref_squeeze %dma_wait3A_229 : memref<1x100000xf32, #tpu.memory_space<hbm>> -> memref<100000xf32, #tpu.memory_space<hbm>>
    %dma_wait3A_231 = arith.constant 0 : i32
    %dma_wait3A_232 = tpu.memref_slice %dma_wait3A_230[%dma_wait3A_231] : memref<100000xf32, #tpu.memory_space<hbm>> -> memref<100000xf32, #tpu.memory_space<hbm>>
    tpu.wait_indirect_dma semaphore(%arg10 : memref<!tpu.dma_semaphore, #tpu.memory_space<semaphore_mem>>) src(%dma_wait3A_232 : memref<100000xf32, #tpu.memory_space<hbm>>) dst(%dma_wait3A_224 : memref<128xf32, #tpu.memory_space<vmem>>)
    %dma_start3A_233 = arith.constant 3 : i32
    %dma_start3A_234 = arith.constant 3 : i32
    %dma_start3A_235 = arith.constant 0 : i32
    %dma_start3A_236 = tpu.memref_slice %arg6[%dma_start3A_233, %dma_start3A_235] : memref<8x128xf32, #tpu.memory_space<vmem>> -> memref<1x128xf32, #tpu.memory_space<vmem>>
    %dma_start3A_237 = tpu.memref_squeeze %dma_start3A_236 : memref<1x128xf32, #tpu.memory_space<vmem>> -> memref<128xf32, #tpu.memory_space<vmem>>
    %dma_start3A_238 = arith.constant 0 : i32
    %dma_start3A_239 = arith.constant 0 : i32
    %dma_start3A_240 = tpu.memref_slice %arg4[%add3A, %dma_start3A_238, %dma_start3A_239] : memref<16x8x128xf32, #tpu.memory_space<hbm>> -> memref<1x8x128xf32, #tpu.memory_space<hbm>>
    %dma_start3A_241 = tpu.memref_squeeze %dma_start3A_240 : memref<1x8x128xf32, #tpu.memory_space<hbm>> -> memref<8x128xf32, #tpu.memory_space<hbm>>
    %dma_start3A_242 = arith.constant 0 : i32
    %dma_start3A_243 = tpu.memref_slice %dma_start3A_241[%dma_start3A_234, %dma_start3A_242] : memref<8x128xf32, #tpu.memory_space<hbm>> -> memref<1x128xf32, #tpu.memory_space<hbm>>
    %dma_start3A_244 = tpu.memref_squeeze %dma_start3A_243 : memref<1x128xf32, #tpu.memory_space<hbm>> -> memref<128xf32, #tpu.memory_space<hbm>>
    %dma_start3A_245 = arith.constant 0 : i32
    %dma_start3A_246 = arith.constant 0 : i32
    %dma_start3A_247 = tpu.memref_slice %arg4[%add3A, %dma_start3A_245, %dma_start3A_246] : memref<16x8x128xf32, #tpu.memory_space<hbm>> -> memref<1x8x128xf32, #tpu.memory_space<hbm>>
    %dma_start3A_248 = tpu.memref_squeeze %dma_start3A_247 : memref<1x8x128xf32, #tpu.memory_space<hbm>> -> memref<8x128xf32, #tpu.memory_space<hbm>>
    %dma_start3A_249 = arith.constant 0 : i32
    %dma_start3A_250 = tpu.memref_slice %dma_start3A_248[%dma_start3A_234, %dma_start3A_249] : memref<8x128xf32, #tpu.memory_space<hbm>> -> memref<1x128xf32, #tpu.memory_space<hbm>>
    %dma_start3A_251 = tpu.memref_squeeze %dma_start3A_250 : memref<1x128xf32, #tpu.memory_space<hbm>> -> memref<128xf32, #tpu.memory_space<hbm>>
    %dma_start3A_252 = arith.constant 0 : i32
    %dma_start3A_253 = tpu.memref_slice %arg6[%dma_start3A_233, %dma_start3A_252] : memref<8x128xf32, #tpu.memory_space<vmem>> -> memref<1x128xf32, #tpu.memory_space<vmem>>
    %dma_start3A_254 = tpu.memref_squeeze %dma_start3A_253 : memref<1x128xf32, #tpu.memory_space<vmem>> -> memref<128xf32, #tpu.memory_space<vmem>>
    tpu.enqueue_dma source(%dma_start3A_254 : memref<128xf32, #tpu.memory_space<vmem>>) target(%dma_start3A_251 : memref<128xf32, #tpu.memory_space<hbm>>) target_semaphore(%arg10 : memref<!tpu.dma_semaphore, #tpu.memory_space<semaphore_mem>>)
    %dma_wait3A_255 = arith.constant 0 : i32
    %dma_wait3A_256 = arith.constant 4 : i32
    %dma_wait3A_257 = arith.constant 4 : i32
    %dma_wait3A_258 = arith.constant 0 : i32
    %dma_wait3A_259 = tpu.memref_slice %arg6[%dma_wait3A_257, %dma_wait3A_258] : memref<8x128xf32, #tpu.memory_space<vmem>> -> memref<1x128xf32, #tpu.memory_space<vmem>>
    %dma_wait3A_260 = tpu.memref_squeeze %dma_wait3A_259 : memref<1x128xf32, #tpu.memory_space<vmem>> -> memref<128xf32, #tpu.memory_space<vmem>>
    %dma_wait3A_261 = arith.constant 0 : i32
    %dma_wait3A_262 = tpu.memref_slice %arg5[%dma_wait3A_256, %dma_wait3A_261] : memref<8x128xi32, #tpu.memory_space<vmem>> -> memref<1x128xi32, #tpu.memory_space<vmem>>
    %dma_wait3A_263 = tpu.memref_squeeze %dma_wait3A_262 : memref<1x128xi32, #tpu.memory_space<vmem>> -> memref<128xi32, #tpu.memory_space<vmem>>
    %dma_wait3A_264 = arith.constant 0 : i32
    %dma_wait3A_265 = tpu.memref_slice %arg2[%dma_wait3A_255, %dma_wait3A_264] : memref<1x100000xf32, #tpu.memory_space<hbm>> -> memref<1x100000xf32, #tpu.memory_space<hbm>>
    %dma_wait3A_266 = tpu.memref_squeeze %dma_wait3A_265 : memref<1x100000xf32, #tpu.memory_space<hbm>> -> memref<100000xf32, #tpu.memory_space<hbm>>
    %dma_wait3A_267 = arith.constant 0 : i32
    %dma_wait3A_268 = tpu.memref_slice %dma_wait3A_266[%dma_wait3A_267] : memref<100000xf32, #tpu.memory_space<hbm>> -> memref<100000xf32, #tpu.memory_space<hbm>>
    tpu.wait_indirect_dma semaphore(%arg11 : memref<!tpu.dma_semaphore, #tpu.memory_space<semaphore_mem>>) src(%dma_wait3A_268 : memref<100000xf32, #tpu.memory_space<hbm>>) dst(%dma_wait3A_260 : memref<128xf32, #tpu.memory_space<vmem>>)
    %dma_start3A_269 = arith.constant 4 : i32
    %dma_start3A_270 = arith.constant 4 : i32
    %dma_start3A_271 = arith.constant 0 : i32
    %dma_start3A_272 = tpu.memref_slice %arg6[%dma_start3A_269, %dma_start3A_271] : memref<8x128xf32, #tpu.memory_space<vmem>> -> memref<1x128xf32, #tpu.memory_space<vmem>>
    %dma_start3A_273 = tpu.memref_squeeze %dma_start3A_272 : memref<1x128xf32, #tpu.memory_space<vmem>> -> memref<128xf32, #tpu.memory_space<vmem>>
    %dma_start3A_274 = arith.constant 0 : i32
    %dma_start3A_275 = arith.constant 0 : i32
    %dma_start3A_276 = tpu.memref_slice %arg4[%add3A, %dma_start3A_274, %dma_start3A_275] : memref<16x8x128xf32, #tpu.memory_space<hbm>> -> memref<1x8x128xf32, #tpu.memory_space<hbm>>
    %dma_start3A_277 = tpu.memref_squeeze %dma_start3A_276 : memref<1x8x128xf32, #tpu.memory_space<hbm>> -> memref<8x128xf32, #tpu.memory_space<hbm>>
    %dma_start3A_278 = arith.constant 0 : i32
    %dma_start3A_279 = tpu.memref_slice %dma_start3A_277[%dma_start3A_270, %dma_start3A_278] : memref<8x128xf32, #tpu.memory_space<hbm>> -> memref<1x128xf32, #tpu.memory_space<hbm>>
    %dma_start3A_280 = tpu.memref_squeeze %dma_start3A_279 : memref<1x128xf32, #tpu.memory_space<hbm>> -> memref<128xf32, #tpu.memory_space<hbm>>
    %dma_start3A_281 = arith.constant 0 : i32
    %dma_start3A_282 = arith.constant 0 : i32
    %dma_start3A_283 = tpu.memref_slice %arg4[%add3A, %dma_start3A_281, %dma_start3A_282] : memref<16x8x128xf32, #tpu.memory_space<hbm>> -> memref<1x8x128xf32, #tpu.memory_space<hbm>>
    %dma_start3A_284 = tpu.memref_squeeze %dma_start3A_283 : memref<1x8x128xf32, #tpu.memory_space<hbm>> -> memref<8x128xf32, #tpu.memory_space<hbm>>
    %dma_start3A_285 = arith.constant 0 : i32
    %dma_start3A_286 = tpu.memref_slice %dma_start3A_284[%dma_start3A_270, %dma_start3A_285] : memref<8x128xf32, #tpu.memory_space<hbm>> -> memref<1x128xf32, #tpu.memory_space<hbm>>
    %dma_start3A_287 = tpu.memref_squeeze %dma_start3A_286 : memref<1x128xf32, #tpu.memory_space<hbm>> -> memref<128xf32, #tpu.memory_space<hbm>>
    %dma_start3A_288 = arith.constant 0 : i32
    %dma_start3A_289 = tpu.memref_slice %arg6[%dma_start3A_269, %dma_start3A_288] : memref<8x128xf32, #tpu.memory_space<vmem>> -> memref<1x128xf32, #tpu.memory_space<vmem>>
    %dma_start3A_290 = tpu.memref_squeeze %dma_start3A_289 : memref<1x128xf32, #tpu.memory_space<vmem>> -> memref<128xf32, #tpu.memory_space<vmem>>
    tpu.enqueue_dma source(%dma_start3A_290 : memref<128xf32, #tpu.memory_space<vmem>>) target(%dma_start3A_287 : memref<128xf32, #tpu.memory_space<hbm>>) target_semaphore(%arg11 : memref<!tpu.dma_semaphore, #tpu.memory_space<semaphore_mem>>)
    %dma_wait3A_291 = arith.constant 0 : i32
    %dma_wait3A_292 = arith.constant 5 : i32
    %dma_wait3A_293 = arith.constant 5 : i32
    %dma_wait3A_294 = arith.constant 0 : i32
    %dma_wait3A_295 = tpu.memref_slice %arg6[%dma_wait3A_293, %dma_wait3A_294] : memref<8x128xf32, #tpu.memory_space<vmem>> -> memref<1x128xf32, #tpu.memory_space<vmem>>
    %dma_wait3A_296 = tpu.memref_squeeze %dma_wait3A_295 : memref<1x128xf32, #tpu.memory_space<vmem>> -> memref<128xf32, #tpu.memory_space<vmem>>
    %dma_wait3A_297 = arith.constant 0 : i32
    %dma_wait3A_298 = tpu.memref_slice %arg5[%dma_wait3A_292, %dma_wait3A_297] : memref<8x128xi32, #tpu.memory_space<vmem>> -> memref<1x128xi32, #tpu.memory_space<vmem>>
    %dma_wait3A_299 = tpu.memref_squeeze %dma_wait3A_298 : memref<1x128xi32, #tpu.memory_space<vmem>> -> memref<128xi32, #tpu.memory_space<vmem>>
    %dma_wait3A_300 = arith.constant 0 : i32
    %dma_wait3A_301 = tpu.memref_slice %arg2[%dma_wait3A_291, %dma_wait3A_300] : memref<1x100000xf32, #tpu.memory_space<hbm>> -> memref<1x100000xf32, #tpu.memory_space<hbm>>
    %dma_wait3A_302 = tpu.memref_squeeze %dma_wait3A_301 : memref<1x100000xf32, #tpu.memory_space<hbm>> -> memref<100000xf32, #tpu.memory_space<hbm>>
    %dma_wait3A_303 = arith.constant 0 : i32
    %dma_wait3A_304 = tpu.memref_slice %dma_wait3A_302[%dma_wait3A_303] : memref<100000xf32, #tpu.memory_space<hbm>> -> memref<100000xf32, #tpu.memory_space<hbm>>
    tpu.wait_indirect_dma semaphore(%arg12 : memref<!tpu.dma_semaphore, #tpu.memory_space<semaphore_mem>>) src(%dma_wait3A_304 : memref<100000xf32, #tpu.memory_space<hbm>>) dst(%dma_wait3A_296 : memref<128xf32, #tpu.memory_space<vmem>>)
    %dma_start3A_305 = arith.constant 5 : i32
    %dma_start3A_306 = arith.constant 5 : i32
    %dma_start3A_307 = arith.constant 0 : i32
    %dma_start3A_308 = tpu.memref_slice %arg6[%dma_start3A_305, %dma_start3A_307] : memref<8x128xf32, #tpu.memory_space<vmem>> -> memref<1x128xf32, #tpu.memory_space<vmem>>
    %dma_start3A_309 = tpu.memref_squeeze %dma_start3A_308 : memref<1x128xf32, #tpu.memory_space<vmem>> -> memref<128xf32, #tpu.memory_space<vmem>>
    %dma_start3A_310 = arith.constant 0 : i32
    %dma_start3A_311 = arith.constant 0 : i32
    %dma_start3A_312 = tpu.memref_slice %arg4[%add3A, %dma_start3A_310, %dma_start3A_311] : memref<16x8x128xf32, #tpu.memory_space<hbm>> -> memref<1x8x128xf32, #tpu.memory_space<hbm>>
    %dma_start3A_313 = tpu.memref_squeeze %dma_start3A_312 : memref<1x8x128xf32, #tpu.memory_space<hbm>> -> memref<8x128xf32, #tpu.memory_space<hbm>>
    %dma_start3A_314 = arith.constant 0 : i32
    %dma_start3A_315 = tpu.memref_slice %dma_start3A_313[%dma_start3A_306, %dma_start3A_314] : memref<8x128xf32, #tpu.memory_space<hbm>> -> memref<1x128xf32, #tpu.memory_space<hbm>>
    %dma_start3A_316 = tpu.memref_squeeze %dma_start3A_315 : memref<1x128xf32, #tpu.memory_space<hbm>> -> memref<128xf32, #tpu.memory_space<hbm>>
    %dma_start3A_317 = arith.constant 0 : i32
    %dma_start3A_318 = arith.constant 0 : i32
    %dma_start3A_319 = tpu.memref_slice %arg4[%add3A, %dma_start3A_317, %dma_start3A_318] : memref<16x8x128xf32, #tpu.memory_space<hbm>> -> memref<1x8x128xf32, #tpu.memory_space<hbm>>
    %dma_start3A_320 = tpu.memref_squeeze %dma_start3A_319 : memref<1x8x128xf32, #tpu.memory_space<hbm>> -> memref<8x128xf32, #tpu.memory_space<hbm>>
    %dma_start3A_321 = arith.constant 0 : i32
    %dma_start3A_322 = tpu.memref_slice %dma_start3A_320[%dma_start3A_306, %dma_start3A_321] : memref<8x128xf32, #tpu.memory_space<hbm>> -> memref<1x128xf32, #tpu.memory_space<hbm>>
    %dma_start3A_323 = tpu.memref_squeeze %dma_start3A_322 : memref<1x128xf32, #tpu.memory_space<hbm>> -> memref<128xf32, #tpu.memory_space<hbm>>
    %dma_start3A_324 = arith.constant 0 : i32
    %dma_start3A_325 = tpu.memref_slice %arg6[%dma_start3A_305, %dma_start3A_324] : memref<8x128xf32, #tpu.memory_space<vmem>> -> memref<1x128xf32, #tpu.memory_space<vmem>>
    %dma_start3A_326 = tpu.memref_squeeze %dma_start3A_325 : memref<1x128xf32, #tpu.memory_space<vmem>> -> memref<128xf32, #tpu.memory_space<vmem>>
    tpu.enqueue_dma source(%dma_start3A_326 : memref<128xf32, #tpu.memory_space<vmem>>) target(%dma_start3A_323 : memref<128xf32, #tpu.memory_space<hbm>>) target_semaphore(%arg12 : memref<!tpu.dma_semaphore, #tpu.memory_space<semaphore_mem>>)
    %dma_wait3A_327 = arith.constant 0 : i32
    %dma_wait3A_328 = arith.constant 6 : i32
    %dma_wait3A_329 = arith.constant 6 : i32
    %dma_wait3A_330 = arith.constant 0 : i32
    %dma_wait3A_331 = tpu.memref_slice %arg6[%dma_wait3A_329, %dma_wait3A_330] : memref<8x128xf32, #tpu.memory_space<vmem>> -> memref<1x128xf32, #tpu.memory_space<vmem>>
    %dma_wait3A_332 = tpu.memref_squeeze %dma_wait3A_331 : memref<1x128xf32, #tpu.memory_space<vmem>> -> memref<128xf32, #tpu.memory_space<vmem>>
    %dma_wait3A_333 = arith.constant 0 : i32
    %dma_wait3A_334 = tpu.memref_slice %arg5[%dma_wait3A_328, %dma_wait3A_333] : memref<8x128xi32, #tpu.memory_space<vmem>> -> memref<1x128xi32, #tpu.memory_space<vmem>>
    %dma_wait3A_335 = tpu.memref_squeeze %dma_wait3A_334 : memref<1x128xi32, #tpu.memory_space<vmem>> -> memref<128xi32, #tpu.memory_space<vmem>>
    %dma_wait3A_336 = arith.constant 0 : i32
    %dma_wait3A_337 = tpu.memref_slice %arg2[%dma_wait3A_327, %dma_wait3A_336] : memref<1x100000xf32, #tpu.memory_space<hbm>> -> memref<1x100000xf32, #tpu.memory_space<hbm>>
    %dma_wait3A_338 = tpu.memref_squeeze %dma_wait3A_337 : memref<1x100000xf32, #tpu.memory_space<hbm>> -> memref<100000xf32, #tpu.memory_space<hbm>>
    %dma_wait3A_339 = arith.constant 0 : i32
    %dma_wait3A_340 = tpu.memref_slice %dma_wait3A_338[%dma_wait3A_339] : memref<100000xf32, #tpu.memory_space<hbm>> -> memref<100000xf32, #tpu.memory_space<hbm>>
    tpu.wait_indirect_dma semaphore(%arg13 : memref<!tpu.dma_semaphore, #tpu.memory_space<semaphore_mem>>) src(%dma_wait3A_340 : memref<100000xf32, #tpu.memory_space<hbm>>) dst(%dma_wait3A_332 : memref<128xf32, #tpu.memory_space<vmem>>)
    %dma_start3A_341 = arith.constant 6 : i32
    %dma_start3A_342 = arith.constant 6 : i32
    %dma_start3A_343 = arith.constant 0 : i32
    %dma_start3A_344 = tpu.memref_slice %arg6[%dma_start3A_341, %dma_start3A_343] : memref<8x128xf32, #tpu.memory_space<vmem>> -> memref<1x128xf32, #tpu.memory_space<vmem>>
    %dma_start3A_345 = tpu.memref_squeeze %dma_start3A_344 : memref<1x128xf32, #tpu.memory_space<vmem>> -> memref<128xf32, #tpu.memory_space<vmem>>
    %dma_start3A_346 = arith.constant 0 : i32
    %dma_start3A_347 = arith.constant 0 : i32
    %dma_start3A_348 = tpu.memref_slice %arg4[%add3A, %dma_start3A_346, %dma_start3A_347] : memref<16x8x128xf32, #tpu.memory_space<hbm>> -> memref<1x8x128xf32, #tpu.memory_space<hbm>>
    %dma_start3A_349 = tpu.memref_squeeze %dma_start3A_348 : memref<1x8x128xf32, #tpu.memory_space<hbm>> -> memref<8x128xf32, #tpu.memory_space<hbm>>
    %dma_start3A_350 = arith.constant 0 : i32
    %dma_start3A_351 = tpu.memref_slice %dma_start3A_349[%dma_start3A_342, %dma_start3A_350] : memref<8x128xf32, #tpu.memory_space<hbm>> -> memref<1x128xf32, #tpu.memory_space<hbm>>
    %dma_start3A_352 = tpu.memref_squeeze %dma_start3A_351 : memref<1x128xf32, #tpu.memory_space<hbm>> -> memref<128xf32, #tpu.memory_space<hbm>>
    %dma_start3A_353 = arith.constant 0 : i32
    %dma_start3A_354 = arith.constant 0 : i32
    %dma_start3A_355 = tpu.memref_slice %arg4[%add3A, %dma_start3A_353, %dma_start3A_354] : memref<16x8x128xf32, #tpu.memory_space<hbm>> -> memref<1x8x128xf32, #tpu.memory_space<hbm>>
    %dma_start3A_356 = tpu.memref_squeeze %dma_start3A_355 : memref<1x8x128xf32, #tpu.memory_space<hbm>> -> memref<8x128xf32, #tpu.memory_space<hbm>>
    %dma_start3A_357 = arith.constant 0 : i32
    %dma_start3A_358 = tpu.memref_slice %dma_start3A_356[%dma_start3A_342, %dma_start3A_357] : memref<8x128xf32, #tpu.memory_space<hbm>> -> memref<1x128xf32, #tpu.memory_space<hbm>>
    %dma_start3A_359 = tpu.memref_squeeze %dma_start3A_358 : memref<1x128xf32, #tpu.memory_space<hbm>> -> memref<128xf32, #tpu.memory_space<hbm>>
    %dma_start3A_360 = arith.constant 0 : i32
    %dma_start3A_361 = tpu.memref_slice %arg6[%dma_start3A_341, %dma_start3A_360] : memref<8x128xf32, #tpu.memory_space<vmem>> -> memref<1x128xf32, #tpu.memory_space<vmem>>
    %dma_start3A_362 = tpu.memref_squeeze %dma_start3A_361 : memref<1x128xf32, #tpu.memory_space<vmem>> -> memref<128xf32, #tpu.memory_space<vmem>>
    tpu.enqueue_dma source(%dma_start3A_362 : memref<128xf32, #tpu.memory_space<vmem>>) target(%dma_start3A_359 : memref<128xf32, #tpu.memory_space<hbm>>) target_semaphore(%arg13 : memref<!tpu.dma_semaphore, #tpu.memory_space<semaphore_mem>>)
    %dma_wait3A_363 = arith.constant 0 : i32
    %dma_wait3A_364 = arith.constant 7 : i32
    %dma_wait3A_365 = arith.constant 7 : i32
    %dma_wait3A_366 = arith.constant 0 : i32
    %dma_wait3A_367 = tpu.memref_slice %arg6[%dma_wait3A_365, %dma_wait3A_366] : memref<8x128xf32, #tpu.memory_space<vmem>> -> memref<1x128xf32, #tpu.memory_space<vmem>>
    %dma_wait3A_368 = tpu.memref_squeeze %dma_wait3A_367 : memref<1x128xf32, #tpu.memory_space<vmem>> -> memref<128xf32, #tpu.memory_space<vmem>>
    %dma_wait3A_369 = arith.constant 0 : i32
    %dma_wait3A_370 = tpu.memref_slice %arg5[%dma_wait3A_364, %dma_wait3A_369] : memref<8x128xi32, #tpu.memory_space<vmem>> -> memref<1x128xi32, #tpu.memory_space<vmem>>
    %dma_wait3A_371 = tpu.memref_squeeze %dma_wait3A_370 : memref<1x128xi32, #tpu.memory_space<vmem>> -> memref<128xi32, #tpu.memory_space<vmem>>
    %dma_wait3A_372 = arith.constant 0 : i32
    %dma_wait3A_373 = tpu.memref_slice %arg2[%dma_wait3A_363, %dma_wait3A_372] : memref<1x100000xf32, #tpu.memory_space<hbm>> -> memref<1x100000xf32, #tpu.memory_space<hbm>>
    %dma_wait3A_374 = tpu.memref_squeeze %dma_wait3A_373 : memref<1x100000xf32, #tpu.memory_space<hbm>> -> memref<100000xf32, #tpu.memory_space<hbm>>
    %dma_wait3A_375 = arith.constant 0 : i32
    %dma_wait3A_376 = tpu.memref_slice %dma_wait3A_374[%dma_wait3A_375] : memref<100000xf32, #tpu.memory_space<hbm>> -> memref<100000xf32, #tpu.memory_space<hbm>>
    tpu.wait_indirect_dma semaphore(%arg14 : memref<!tpu.dma_semaphore, #tpu.memory_space<semaphore_mem>>) src(%dma_wait3A_376 : memref<100000xf32, #tpu.memory_space<hbm>>) dst(%dma_wait3A_368 : memref<128xf32, #tpu.memory_space<vmem>>)
    %dma_start3A_377 = arith.constant 7 : i32
    %dma_start3A_378 = arith.constant 7 : i32
    %dma_start3A_379 = arith.constant 0 : i32
    %dma_start3A_380 = tpu.memref_slice %arg6[%dma_start3A_377, %dma_start3A_379] : memref<8x128xf32, #tpu.memory_space<vmem>> -> memref<1x128xf32, #tpu.memory_space<vmem>>
    %dma_start3A_381 = tpu.memref_squeeze %dma_start3A_380 : memref<1x128xf32, #tpu.memory_space<vmem>> -> memref<128xf32, #tpu.memory_space<vmem>>
    %dma_start3A_382 = arith.constant 0 : i32
    %dma_start3A_383 = arith.constant 0 : i32
    %dma_start3A_384 = tpu.memref_slice %arg4[%add3A, %dma_start3A_382, %dma_start3A_383] : memref<16x8x128xf32, #tpu.memory_space<hbm>> -> memref<1x8x128xf32, #tpu.memory_space<hbm>>
    %dma_start3A_385 = tpu.memref_squeeze %dma_start3A_384 : memref<1x8x128xf32, #tpu.memory_space<hbm>> -> memref<8x128xf32, #tpu.memory_space<hbm>>
    %dma_start3A_386 = arith.constant 0 : i32
    %dma_start3A_387 = tpu.memref_slice %dma_start3A_385[%dma_start3A_378, %dma_start3A_386] : memref<8x128xf32, #tpu.memory_space<hbm>> -> memref<1x128xf32, #tpu.memory_space<hbm>>
    %dma_start3A_388 = tpu.memref_squeeze %dma_start3A_387 : memref<1x128xf32, #tpu.memory_space<hbm>> -> memref<128xf32, #tpu.memory_space<hbm>>
    %dma_start3A_389 = arith.constant 0 : i32
    %dma_start3A_390 = arith.constant 0 : i32
    %dma_start3A_391 = tpu.memref_slice %arg4[%add3A, %dma_start3A_389, %dma_start3A_390] : memref<16x8x128xf32, #tpu.memory_space<hbm>> -> memref<1x8x128xf32, #tpu.memory_space<hbm>>
    %dma_start3A_392 = tpu.memref_squeeze %dma_start3A_391 : memref<1x8x128xf32, #tpu.memory_space<hbm>> -> memref<8x128xf32, #tpu.memory_space<hbm>>
    %dma_start3A_393 = arith.constant 0 : i32
    %dma_start3A_394 = tpu.memref_slice %dma_start3A_392[%dma_start3A_378, %dma_start3A_393] : memref<8x128xf32, #tpu.memory_space<hbm>> -> memref<1x128xf32, #tpu.memory_space<hbm>>
    %dma_start3A_395 = tpu.memref_squeeze %dma_start3A_394 : memref<1x128xf32, #tpu.memory_space<hbm>> -> memref<128xf32, #tpu.memory_space<hbm>>
    %dma_start3A_396 = arith.constant 0 : i32
    %dma_start3A_397 = tpu.memref_slice %arg6[%dma_start3A_377, %dma_start3A_396] : memref<8x128xf32, #tpu.memory_space<vmem>> -> memref<1x128xf32, #tpu.memory_space<vmem>>
    %dma_start3A_398 = tpu.memref_squeeze %dma_start3A_397 : memref<1x128xf32, #tpu.memory_space<vmem>> -> memref<128xf32, #tpu.memory_space<vmem>>
    tpu.enqueue_dma source(%dma_start3A_398 : memref<128xf32, #tpu.memory_space<vmem>>) target(%dma_start3A_395 : memref<128xf32, #tpu.memory_space<hbm>>) target_semaphore(%arg14 : memref<!tpu.dma_semaphore, #tpu.memory_space<semaphore_mem>>)
    %dma_wait3A_399 = arith.constant 0 : i32
    %dma_wait3A_400 = arith.constant 0 : i32
    %dma_wait3A_401 = arith.constant 0 : i32
    %dma_wait3A_402 = tpu.memref_slice %arg6[%dma_wait3A_399, %dma_wait3A_401] : memref<8x128xf32, #tpu.memory_space<vmem>> -> memref<1x128xf32, #tpu.memory_space<vmem>>
    %dma_wait3A_403 = tpu.memref_squeeze %dma_wait3A_402 : memref<1x128xf32, #tpu.memory_space<vmem>> -> memref<128xf32, #tpu.memory_space<vmem>>
    %dma_wait3A_404 = arith.constant 0 : i32
    %dma_wait3A_405 = arith.constant 0 : i32
    %dma_wait3A_406 = tpu.memref_slice %arg4[%add3A, %dma_wait3A_404, %dma_wait3A_405] : memref<16x8x128xf32, #tpu.memory_space<hbm>> -> memref<1x8x128xf32, #tpu.memory_space<hbm>>
    %dma_wait3A_407 = tpu.memref_squeeze %dma_wait3A_406 : memref<1x8x128xf32, #tpu.memory_space<hbm>> -> memref<8x128xf32, #tpu.memory_space<hbm>>
    %dma_wait3A_408 = arith.constant 0 : i32
    %dma_wait3A_409 = tpu.memref_slice %dma_wait3A_407[%dma_wait3A_400, %dma_wait3A_408] : memref<8x128xf32, #tpu.memory_space<hbm>> -> memref<1x128xf32, #tpu.memory_space<hbm>>
    %dma_wait3A_410 = tpu.memref_squeeze %dma_wait3A_409 : memref<1x128xf32, #tpu.memory_space<hbm>> -> memref<128xf32, #tpu.memory_space<hbm>>
    %dma_wait3A_411 = arith.constant 0 : i32
    %dma_wait3A_412 = arith.constant 0 : i32
    %dma_wait3A_413 = tpu.memref_slice %arg4[%add3A, %dma_wait3A_411, %dma_wait3A_412] : memref<16x8x128xf32, #tpu.memory_space<hbm>> -> memref<1x8x128xf32, #tpu.memory_space<hbm>>
    %dma_wait3A_414 = tpu.memref_squeeze %dma_wait3A_413 : memref<1x8x128xf32, #tpu.memory_space<hbm>> -> memref<8x128xf32, #tpu.memory_space<hbm>>
    %dma_wait3A_415 = arith.constant 0 : i32
    %dma_wait3A_416 = tpu.memref_slice %dma_wait3A_414[%dma_wait3A_400, %dma_wait3A_415] : memref<8x128xf32, #tpu.memory_space<hbm>> -> memref<1x128xf32, #tpu.memory_space<hbm>>
    %dma_wait3A_417 = tpu.memref_squeeze %dma_wait3A_416 : memref<1x128xf32, #tpu.memory_space<hbm>> -> memref<128xf32, #tpu.memory_space<hbm>>
    %dma_wait3A_418 = arith.constant 0 : i32
    %dma_wait3A_419 = tpu.memref_slice %arg6[%dma_wait3A_399, %dma_wait3A_418] : memref<8x128xf32, #tpu.memory_space<vmem>> -> memref<1x128xf32, #tpu.memory_space<vmem>>
    %dma_wait3A_420 = tpu.memref_squeeze %dma_wait3A_419 : memref<1x128xf32, #tpu.memory_space<vmem>> -> memref<128xf32, #tpu.memory_space<vmem>>
    tpu.wait_dma2 semaphore(%arg7 : memref<!tpu.dma_semaphore, #tpu.memory_space<semaphore_mem>>) src(%dma_wait3A_420 : memref<128xf32, #tpu.memory_space<vmem>>) dst(%dma_wait3A_417 : memref<128xf32, #tpu.memory_space<hbm>>)
    %dma_wait3A_421 = arith.constant 1 : i32
    %dma_wait3A_422 = arith.constant 1 : i32
    %dma_wait3A_423 = arith.constant 0 : i32
    %dma_wait3A_424 = tpu.memref_slice %arg6[%dma_wait3A_421, %dma_wait3A_423] : memref<8x128xf32, #tpu.memory_space<vmem>> -> memref<1x128xf32, #tpu.memory_space<vmem>>
    %dma_wait3A_425 = tpu.memref_squeeze %dma_wait3A_424 : memref<1x128xf32, #tpu.memory_space<vmem>> -> memref<128xf32, #tpu.memory_space<vmem>>
    %dma_wait3A_426 = arith.constant 0 : i32
    %dma_wait3A_427 = arith.constant 0 : i32
    %dma_wait3A_428 = tpu.memref_slice %arg4[%add3A, %dma_wait3A_426, %dma_wait3A_427] : memref<16x8x128xf32, #tpu.memory_space<hbm>> -> memref<1x8x128xf32, #tpu.memory_space<hbm>>
    %dma_wait3A_429 = tpu.memref_squeeze %dma_wait3A_428 : memref<1x8x128xf32, #tpu.memory_space<hbm>> -> memref<8x128xf32, #tpu.memory_space<hbm>>
    %dma_wait3A_430 = arith.constant 0 : i32
    %dma_wait3A_431 = tpu.memref_slice %dma_wait3A_429[%dma_wait3A_422, %dma_wait3A_430] : memref<8x128xf32, #tpu.memory_space<hbm>> -> memref<1x128xf32, #tpu.memory_space<hbm>>
    %dma_wait3A_432 = tpu.memref_squeeze %dma_wait3A_431 : memref<1x128xf32, #tpu.memory_space<hbm>> -> memref<128xf32, #tpu.memory_space<hbm>>
    %dma_wait3A_433 = arith.constant 0 : i32
    %dma_wait3A_434 = arith.constant 0 : i32
    %dma_wait3A_435 = tpu.memref_slice %arg4[%add3A, %dma_wait3A_433, %dma_wait3A_434] : memref<16x8x128xf32, #tpu.memory_space<hbm>> -> memref<1x8x128xf32, #tpu.memory_space<hbm>>
    %dma_wait3A_436 = tpu.memref_squeeze %dma_wait3A_435 : memref<1x8x128xf32, #tpu.memory_space<hbm>> -> memref<8x128xf32, #tpu.memory_space<hbm>>
    %dma_wait3A_437 = arith.constant 0 : i32
    %dma_wait3A_438 = tpu.memref_slice %dma_wait3A_436[%dma_wait3A_422, %dma_wait3A_437] : memref<8x128xf32, #tpu.memory_space<hbm>> -> memref<1x128xf32, #tpu.memory_space<hbm>>
    %dma_wait3A_439 = tpu.memref_squeeze %dma_wait3A_438 : memref<1x128xf32, #tpu.memory_space<hbm>> -> memref<128xf32, #tpu.memory_space<hbm>>
    %dma_wait3A_440 = arith.constant 0 : i32
    %dma_wait3A_441 = tpu.memref_slice %arg6[%dma_wait3A_421, %dma_wait3A_440] : memref<8x128xf32, #tpu.memory_space<vmem>> -> memref<1x128xf32, #tpu.memory_space<vmem>>
    %dma_wait3A_442 = tpu.memref_squeeze %dma_wait3A_441 : memref<1x128xf32, #tpu.memory_space<vmem>> -> memref<128xf32, #tpu.memory_space<vmem>>
    tpu.wait_dma2 semaphore(%arg8 : memref<!tpu.dma_semaphore, #tpu.memory_space<semaphore_mem>>) src(%dma_wait3A_442 : memref<128xf32, #tpu.memory_space<vmem>>) dst(%dma_wait3A_439 : memref<128xf32, #tpu.memory_space<hbm>>)
    %dma_wait3A_443 = arith.constant 2 : i32
    %dma_wait3A_444 = arith.constant 2 : i32
    %dma_wait3A_445 = arith.constant 0 : i32
    %dma_wait3A_446 = tpu.memref_slice %arg6[%dma_wait3A_443, %dma_wait3A_445] : memref<8x128xf32, #tpu.memory_space<vmem>> -> memref<1x128xf32, #tpu.memory_space<vmem>>
    %dma_wait3A_447 = tpu.memref_squeeze %dma_wait3A_446 : memref<1x128xf32, #tpu.memory_space<vmem>> -> memref<128xf32, #tpu.memory_space<vmem>>
    %dma_wait3A_448 = arith.constant 0 : i32
    %dma_wait3A_449 = arith.constant 0 : i32
    %dma_wait3A_450 = tpu.memref_slice %arg4[%add3A, %dma_wait3A_448, %dma_wait3A_449] : memref<16x8x128xf32, #tpu.memory_space<hbm>> -> memref<1x8x128xf32, #tpu.memory_space<hbm>>
    %dma_wait3A_451 = tpu.memref_squeeze %dma_wait3A_450 : memref<1x8x128xf32, #tpu.memory_space<hbm>> -> memref<8x128xf32, #tpu.memory_space<hbm>>
    %dma_wait3A_452 = arith.constant 0 : i32
    %dma_wait3A_453 = tpu.memref_slice %dma_wait3A_451[%dma_wait3A_444, %dma_wait3A_452] : memref<8x128xf32, #tpu.memory_space<hbm>> -> memref<1x128xf32, #tpu.memory_space<hbm>>
    %dma_wait3A_454 = tpu.memref_squeeze %dma_wait3A_453 : memref<1x128xf32, #tpu.memory_space<hbm>> -> memref<128xf32, #tpu.memory_space<hbm>>
    %dma_wait3A_455 = arith.constant 0 : i32
    %dma_wait3A_456 = arith.constant 0 : i32
    %dma_wait3A_457 = tpu.memref_slice %arg4[%add3A, %dma_wait3A_455, %dma_wait3A_456] : memref<16x8x128xf32, #tpu.memory_space<hbm>> -> memref<1x8x128xf32, #tpu.memory_space<hbm>>
    %dma_wait3A_458 = tpu.memref_squeeze %dma_wait3A_457 : memref<1x8x128xf32, #tpu.memory_space<hbm>> -> memref<8x128xf32, #tpu.memory_space<hbm>>
    %dma_wait3A_459 = arith.constant 0 : i32
    %dma_wait3A_460 = tpu.memref_slice %dma_wait3A_458[%dma_wait3A_444, %dma_wait3A_459] : memref<8x128xf32, #tpu.memory_space<hbm>> -> memref<1x128xf32, #tpu.memory_space<hbm>>
    %dma_wait3A_461 = tpu.memref_squeeze %dma_wait3A_460 : memref<1x128xf32, #tpu.memory_space<hbm>> -> memref<128xf32, #tpu.memory_space<hbm>>
    %dma_wait3A_462 = arith.constant 0 : i32
    %dma_wait3A_463 = tpu.memref_slice %arg6[%dma_wait3A_443, %dma_wait3A_462] : memref<8x128xf32, #tpu.memory_space<vmem>> -> memref<1x128xf32, #tpu.memory_space<vmem>>
    %dma_wait3A_464 = tpu.memref_squeeze %dma_wait3A_463 : memref<1x128xf32, #tpu.memory_space<vmem>> -> memref<128xf32, #tpu.memory_space<vmem>>
    tpu.wait_dma2 semaphore(%arg9 : memref<!tpu.dma_semaphore, #tpu.memory_space<semaphore_mem>>) src(%dma_wait3A_464 : memref<128xf32, #tpu.memory_space<vmem>>) dst(%dma_wait3A_461 : memref<128xf32, #tpu.memory_space<hbm>>)
    %dma_wait3A_465 = arith.constant 3 : i32
    %dma_wait3A_466 = arith.constant 3 : i32
    %dma_wait3A_467 = arith.constant 0 : i32
    %dma_wait3A_468 = tpu.memref_slice %arg6[%dma_wait3A_465, %dma_wait3A_467] : memref<8x128xf32, #tpu.memory_space<vmem>> -> memref<1x128xf32, #tpu.memory_space<vmem>>
    %dma_wait3A_469 = tpu.memref_squeeze %dma_wait3A_468 : memref<1x128xf32, #tpu.memory_space<vmem>> -> memref<128xf32, #tpu.memory_space<vmem>>
    %dma_wait3A_470 = arith.constant 0 : i32
    %dma_wait3A_471 = arith.constant 0 : i32
    %dma_wait3A_472 = tpu.memref_slice %arg4[%add3A, %dma_wait3A_470, %dma_wait3A_471] : memref<16x8x128xf32, #tpu.memory_space<hbm>> -> memref<1x8x128xf32, #tpu.memory_space<hbm>>
    %dma_wait3A_473 = tpu.memref_squeeze %dma_wait3A_472 : memref<1x8x128xf32, #tpu.memory_space<hbm>> -> memref<8x128xf32, #tpu.memory_space<hbm>>
    %dma_wait3A_474 = arith.constant 0 : i32
    %dma_wait3A_475 = tpu.memref_slice %dma_wait3A_473[%dma_wait3A_466, %dma_wait3A_474] : memref<8x128xf32, #tpu.memory_space<hbm>> -> memref<1x128xf32, #tpu.memory_space<hbm>>
    %dma_wait3A_476 = tpu.memref_squeeze %dma_wait3A_475 : memref<1x128xf32, #tpu.memory_space<hbm>> -> memref<128xf32, #tpu.memory_space<hbm>>
    %dma_wait3A_477 = arith.constant 0 : i32
    %dma_wait3A_478 = arith.constant 0 : i32
    %dma_wait3A_479 = tpu.memref_slice %arg4[%add3A, %dma_wait3A_477, %dma_wait3A_478] : memref<16x8x128xf32, #tpu.memory_space<hbm>> -> memref<1x8x128xf32, #tpu.memory_space<hbm>>
    %dma_wait3A_480 = tpu.memref_squeeze %dma_wait3A_479 : memref<1x8x128xf32, #tpu.memory_space<hbm>> -> memref<8x128xf32, #tpu.memory_space<hbm>>
    %dma_wait3A_481 = arith.constant 0 : i32
    %dma_wait3A_482 = tpu.memref_slice %dma_wait3A_480[%dma_wait3A_466, %dma_wait3A_481] : memref<8x128xf32, #tpu.memory_space<hbm>> -> memref<1x128xf32, #tpu.memory_space<hbm>>
    %dma_wait3A_483 = tpu.memref_squeeze %dma_wait3A_482 : memref<1x128xf32, #tpu.memory_space<hbm>> -> memref<128xf32, #tpu.memory_space<hbm>>
    %dma_wait3A_484 = arith.constant 0 : i32
    %dma_wait3A_485 = tpu.memref_slice %arg6[%dma_wait3A_465, %dma_wait3A_484] : memref<8x128xf32, #tpu.memory_space<vmem>> -> memref<1x128xf32, #tpu.memory_space<vmem>>
    %dma_wait3A_486 = tpu.memref_squeeze %dma_wait3A_485 : memref<1x128xf32, #tpu.memory_space<vmem>> -> memref<128xf32, #tpu.memory_space<vmem>>
    tpu.wait_dma2 semaphore(%arg10 : memref<!tpu.dma_semaphore, #tpu.memory_space<semaphore_mem>>) src(%dma_wait3A_486 : memref<128xf32, #tpu.memory_space<vmem>>) dst(%dma_wait3A_483 : memref<128xf32, #tpu.memory_space<hbm>>)
    %dma_wait3A_487 = arith.constant 4 : i32
    %dma_wait3A_488 = arith.constant 4 : i32
    %dma_wait3A_489 = arith.constant 0 : i32
    %dma_wait3A_490 = tpu.memref_slice %arg6[%dma_wait3A_487, %dma_wait3A_489] : memref<8x128xf32, #tpu.memory_space<vmem>> -> memref<1x128xf32, #tpu.memory_space<vmem>>
    %dma_wait3A_491 = tpu.memref_squeeze %dma_wait3A_490 : memref<1x128xf32, #tpu.memory_space<vmem>> -> memref<128xf32, #tpu.memory_space<vmem>>
    %dma_wait3A_492 = arith.constant 0 : i32
    %dma_wait3A_493 = arith.constant 0 : i32
    %dma_wait3A_494 = tpu.memref_slice %arg4[%add3A, %dma_wait3A_492, %dma_wait3A_493] : memref<16x8x128xf32, #tpu.memory_space<hbm>> -> memref<1x8x128xf32, #tpu.memory_space<hbm>>
    %dma_wait3A_495 = tpu.memref_squeeze %dma_wait3A_494 : memref<1x8x128xf32, #tpu.memory_space<hbm>> -> memref<8x128xf32, #tpu.memory_space<hbm>>
    %dma_wait3A_496 = arith.constant 0 : i32
    %dma_wait3A_497 = tpu.memref_slice %dma_wait3A_495[%dma_wait3A_488, %dma_wait3A_496] : memref<8x128xf32, #tpu.memory_space<hbm>> -> memref<1x128xf32, #tpu.memory_space<hbm>>
    %dma_wait3A_498 = tpu.memref_squeeze %dma_wait3A_497 : memref<1x128xf32, #tpu.memory_space<hbm>> -> memref<128xf32, #tpu.memory_space<hbm>>
    %dma_wait3A_499 = arith.constant 0 : i32
    %dma_wait3A_500 = arith.constant 0 : i32
    %dma_wait3A_501 = tpu.memref_slice %arg4[%add3A, %dma_wait3A_499, %dma_wait3A_500] : memref<16x8x128xf32, #tpu.memory_space<hbm>> -> memref<1x8x128xf32, #tpu.memory_space<hbm>>
    %dma_wait3A_502 = tpu.memref_squeeze %dma_wait3A_501 : memref<1x8x128xf32, #tpu.memory_space<hbm>> -> memref<8x128xf32, #tpu.memory_space<hbm>>
    %dma_wait3A_503 = arith.constant 0 : i32
    %dma_wait3A_504 = tpu.memref_slice %dma_wait3A_502[%dma_wait3A_488, %dma_wait3A_503] : memref<8x128xf32, #tpu.memory_space<hbm>> -> memref<1x128xf32, #tpu.memory_space<hbm>>
    %dma_wait3A_505 = tpu.memref_squeeze %dma_wait3A_504 : memref<1x128xf32, #tpu.memory_space<hbm>> -> memref<128xf32, #tpu.memory_space<hbm>>
    %dma_wait3A_506 = arith.constant 0 : i32
    %dma_wait3A_507 = tpu.memref_slice %arg6[%dma_wait3A_487, %dma_wait3A_506] : memref<8x128xf32, #tpu.memory_space<vmem>> -> memref<1x128xf32, #tpu.memory_space<vmem>>
    %dma_wait3A_508 = tpu.memref_squeeze %dma_wait3A_507 : memref<1x128xf32, #tpu.memory_space<vmem>> -> memref<128xf32, #tpu.memory_space<vmem>>
    tpu.wait_dma2 semaphore(%arg11 : memref<!tpu.dma_semaphore, #tpu.memory_space<semaphore_mem>>) src(%dma_wait3A_508 : memref<128xf32, #tpu.memory_space<vmem>>) dst(%dma_wait3A_505 : memref<128xf32, #tpu.memory_space<hbm>>)
    %dma_wait3A_509 = arith.constant 5 : i32
    %dma_wait3A_510 = arith.constant 5 : i32
    %dma_wait3A_511 = arith.constant 0 : i32
    %dma_wait3A_512 = tpu.memref_slice %arg6[%dma_wait3A_509, %dma_wait3A_511] : memref<8x128xf32, #tpu.memory_space<vmem>> -> memref<1x128xf32, #tpu.memory_space<vmem>>
    %dma_wait3A_513 = tpu.memref_squeeze %dma_wait3A_512 : memref<1x128xf32, #tpu.memory_space<vmem>> -> memref<128xf32, #tpu.memory_space<vmem>>
    %dma_wait3A_514 = arith.constant 0 : i32
    %dma_wait3A_515 = arith.constant 0 : i32
    %dma_wait3A_516 = tpu.memref_slice %arg4[%add3A, %dma_wait3A_514, %dma_wait3A_515] : memref<16x8x128xf32, #tpu.memory_space<hbm>> -> memref<1x8x128xf32, #tpu.memory_space<hbm>>
    %dma_wait3A_517 = tpu.memref_squeeze %dma_wait3A_516 : memref<1x8x128xf32, #tpu.memory_space<hbm>> -> memref<8x128xf32, #tpu.memory_space<hbm>>
    %dma_wait3A_518 = arith.constant 0 : i32
    %dma_wait3A_519 = tpu.memref_slice %dma_wait3A_517[%dma_wait3A_510, %dma_wait3A_518] : memref<8x128xf32, #tpu.memory_space<hbm>> -> memref<1x128xf32, #tpu.memory_space<hbm>>
    %dma_wait3A_520 = tpu.memref_squeeze %dma_wait3A_519 : memref<1x128xf32, #tpu.memory_space<hbm>> -> memref<128xf32, #tpu.memory_space<hbm>>
    %dma_wait3A_521 = arith.constant 0 : i32
    %dma_wait3A_522 = arith.constant 0 : i32
    %dma_wait3A_523 = tpu.memref_slice %arg4[%add3A, %dma_wait3A_521, %dma_wait3A_522] : memref<16x8x128xf32, #tpu.memory_space<hbm>> -> memref<1x8x128xf32, #tpu.memory_space<hbm>>
    %dma_wait3A_524 = tpu.memref_squeeze %dma_wait3A_523 : memref<1x8x128xf32, #tpu.memory_space<hbm>> -> memref<8x128xf32, #tpu.memory_space<hbm>>
    %dma_wait3A_525 = arith.constant 0 : i32
    %dma_wait3A_526 = tpu.memref_slice %dma_wait3A_524[%dma_wait3A_510, %dma_wait3A_525] : memref<8x128xf32, #tpu.memory_space<hbm>> -> memref<1x128xf32, #tpu.memory_space<hbm>>
    %dma_wait3A_527 = tpu.memref_squeeze %dma_wait3A_526 : memref<1x128xf32, #tpu.memory_space<hbm>> -> memref<128xf32, #tpu.memory_space<hbm>>
    %dma_wait3A_528 = arith.constant 0 : i32
    %dma_wait3A_529 = tpu.memref_slice %arg6[%dma_wait3A_509, %dma_wait3A_528] : memref<8x128xf32, #tpu.memory_space<vmem>> -> memref<1x128xf32, #tpu.memory_space<vmem>>
    %dma_wait3A_530 = tpu.memref_squeeze %dma_wait3A_529 : memref<1x128xf32, #tpu.memory_space<vmem>> -> memref<128xf32, #tpu.memory_space<vmem>>
    tpu.wait_dma2 semaphore(%arg12 : memref<!tpu.dma_semaphore, #tpu.memory_space<semaphore_mem>>) src(%dma_wait3A_530 : memref<128xf32, #tpu.memory_space<vmem>>) dst(%dma_wait3A_527 : memref<128xf32, #tpu.memory_space<hbm>>)
    %dma_wait3A_531 = arith.constant 6 : i32
    %dma_wait3A_532 = arith.constant 6 : i32
    %dma_wait3A_533 = arith.constant 0 : i32
    %dma_wait3A_534 = tpu.memref_slice %arg6[%dma_wait3A_531, %dma_wait3A_533] : memref<8x128xf32, #tpu.memory_space<vmem>> -> memref<1x128xf32, #tpu.memory_space<vmem>>
    %dma_wait3A_535 = tpu.memref_squeeze %dma_wait3A_534 : memref<1x128xf32, #tpu.memory_space<vmem>> -> memref<128xf32, #tpu.memory_space<vmem>>
    %dma_wait3A_536 = arith.constant 0 : i32
    %dma_wait3A_537 = arith.constant 0 : i32
    %dma_wait3A_538 = tpu.memref_slice %arg4[%add3A, %dma_wait3A_536, %dma_wait3A_537] : memref<16x8x128xf32, #tpu.memory_space<hbm>> -> memref<1x8x128xf32, #tpu.memory_space<hbm>>
    %dma_wait3A_539 = tpu.memref_squeeze %dma_wait3A_538 : memref<1x8x128xf32, #tpu.memory_space<hbm>> -> memref<8x128xf32, #tpu.memory_space<hbm>>
    %dma_wait3A_540 = arith.constant 0 : i32
    %dma_wait3A_541 = tpu.memref_slice %dma_wait3A_539[%dma_wait3A_532, %dma_wait3A_540] : memref<8x128xf32, #tpu.memory_space<hbm>> -> memref<1x128xf32, #tpu.memory_space<hbm>>
    %dma_wait3A_542 = tpu.memref_squeeze %dma_wait3A_541 : memref<1x128xf32, #tpu.memory_space<hbm>> -> memref<128xf32, #tpu.memory_space<hbm>>
    %dma_wait3A_543 = arith.constant 0 : i32
    %dma_wait3A_544 = arith.constant 0 : i32
    %dma_wait3A_545 = tpu.memref_slice %arg4[%add3A, %dma_wait3A_543, %dma_wait3A_544] : memref<16x8x128xf32, #tpu.memory_space<hbm>> -> memref<1x8x128xf32, #tpu.memory_space<hbm>>
    %dma_wait3A_546 = tpu.memref_squeeze %dma_wait3A_545 : memref<1x8x128xf32, #tpu.memory_space<hbm>> -> memref<8x128xf32, #tpu.memory_space<hbm>>
    %dma_wait3A_547 = arith.constant 0 : i32
    %dma_wait3A_548 = tpu.memref_slice %dma_wait3A_546[%dma_wait3A_532, %dma_wait3A_547] : memref<8x128xf32, #tpu.memory_space<hbm>> -> memref<1x128xf32, #tpu.memory_space<hbm>>
    %dma_wait3A_549 = tpu.memref_squeeze %dma_wait3A_548 : memref<1x128xf32, #tpu.memory_space<hbm>> -> memref<128xf32, #tpu.memory_space<hbm>>
    %dma_wait3A_550 = arith.constant 0 : i32
    %dma_wait3A_551 = tpu.memref_slice %arg6[%dma_wait3A_531, %dma_wait3A_550] : memref<8x128xf32, #tpu.memory_space<vmem>> -> memref<1x128xf32, #tpu.memory_space<vmem>>
    %dma_wait3A_552 = tpu.memref_squeeze %dma_wait3A_551 : memref<1x128xf32, #tpu.memory_space<vmem>> -> memref<128xf32, #tpu.memory_space<vmem>>
    tpu.wait_dma2 semaphore(%arg13 : memref<!tpu.dma_semaphore, #tpu.memory_space<semaphore_mem>>) src(%dma_wait3A_552 : memref<128xf32, #tpu.memory_space<vmem>>) dst(%dma_wait3A_549 : memref<128xf32, #tpu.memory_space<hbm>>)
    %dma_wait3A_553 = arith.constant 7 : i32
    %dma_wait3A_554 = arith.constant 7 : i32
    %dma_wait3A_555 = arith.constant 0 : i32
    %dma_wait3A_556 = tpu.memref_slice %arg6[%dma_wait3A_553, %dma_wait3A_555] : memref<8x128xf32, #tpu.memory_space<vmem>> -> memref<1x128xf32, #tpu.memory_space<vmem>>
    %dma_wait3A_557 = tpu.memref_squeeze %dma_wait3A_556 : memref<1x128xf32, #tpu.memory_space<vmem>> -> memref<128xf32, #tpu.memory_space<vmem>>
    %dma_wait3A_558 = arith.constant 0 : i32
    %dma_wait3A_559 = arith.constant 0 : i32
    %dma_wait3A_560 = tpu.memref_slice %arg4[%add3A, %dma_wait3A_558, %dma_wait3A_559] : memref<16x8x128xf32, #tpu.memory_space<hbm>> -> memref<1x8x128xf32, #tpu.memory_space<hbm>>
    %dma_wait3A_561 = tpu.memref_squeeze %dma_wait3A_560 : memref<1x8x128xf32, #tpu.memory_space<hbm>> -> memref<8x128xf32, #tpu.memory_space<hbm>>
    %dma_wait3A_562 = arith.constant 0 : i32
    %dma_wait3A_563 = tpu.memref_slice %dma_wait3A_561[%dma_wait3A_554, %dma_wait3A_562] : memref<8x128xf32, #tpu.memory_space<hbm>> -> memref<1x128xf32, #tpu.memory_space<hbm>>
    %dma_wait3A_564 = tpu.memref_squeeze %dma_wait3A_563 : memref<1x128xf32, #tpu.memory_space<hbm>> -> memref<128xf32, #tpu.memory_space<hbm>>
    %dma_wait3A_565 = arith.constant 0 : i32
    %dma_wait3A_566 = arith.constant 0 : i32
    %dma_wait3A_567 = tpu.memref_slice %arg4[%add3A, %dma_wait3A_565, %dma_wait3A_566] : memref<16x8x128xf32, #tpu.memory_space<hbm>> -> memref<1x8x128xf32, #tpu.memory_space<hbm>>
    %dma_wait3A_568 = tpu.memref_squeeze %dma_wait3A_567 : memref<1x8x128xf32, #tpu.memory_space<hbm>> -> memref<8x128xf32, #tpu.memory_space<hbm>>
    %dma_wait3A_569 = arith.constant 0 : i32
    %dma_wait3A_570 = tpu.memref_slice %dma_wait3A_568[%dma_wait3A_554, %dma_wait3A_569] : memref<8x128xf32, #tpu.memory_space<hbm>> -> memref<1x128xf32, #tpu.memory_space<hbm>>
    %dma_wait3A_571 = tpu.memref_squeeze %dma_wait3A_570 : memref<1x128xf32, #tpu.memory_space<hbm>> -> memref<128xf32, #tpu.memory_space<hbm>>
    %dma_wait3A_572 = arith.constant 0 : i32
    %dma_wait3A_573 = tpu.memref_slice %arg6[%dma_wait3A_553, %dma_wait3A_572] : memref<8x128xf32, #tpu.memory_space<vmem>> -> memref<1x128xf32, #tpu.memory_space<vmem>>
    %dma_wait3A_574 = tpu.memref_squeeze %dma_wait3A_573 : memref<1x128xf32, #tpu.memory_space<vmem>> -> memref<128xf32, #tpu.memory_space<vmem>>
    tpu.wait_dma2 semaphore(%arg14 : memref<!tpu.dma_semaphore, #tpu.memory_space<semaphore_mem>>) src(%dma_wait3A_574 : memref<128xf32, #tpu.memory_space<vmem>>) dst(%dma_wait3A_571 : memref<128xf32, #tpu.memory_space<hbm>>)
    return
  }
}

</mosaic_0001>

<sc_bundles>
// kernel: kernel.3.cloned.1.call-start
scs
__scs_entry_jumppad:
0x0: {  	(pc) =	sbr.rel $0x88, $3  }
0x1: {  	(tag) =	ssettag $0x0;
	lr =	simm.s32 $0x1  }
0x2: {  	[smem:$0x3F9F] =	sst lr;
	_ =	strace $0xD0000000  }
0x3: {  	_ = 	snop  }
0x4: {  	_ = 	snop  }
0x5: {  	_ = 	snop  }
0x6: {  	_ = 	snop  }
0x7: {  	_ = 	snop  }
__scs_overlays_trampoline_lowered:
0x8: {  	[smem:$0x3FAE] =	sst s0  }
0x9: {  	[smem:$0x3FAF] =	sst s1  }
0xa: {  	[smem:$0x3FB0] =	sst s2  }
0xb: {  	[smem:$0x3FB1] =	sst s3  }
0xc: {  	[smem:$0x3FB2] =	sst s4  }
0xd: {  	[smem:$0x3FB3] =	sst s5  }
0xe: {  	[smem:$0x3FB4] =	sst s6  }
0xf: {  	[smem:$0x3FB5] =	sst s7  }
0x10: {  	[smem:$0x3FB6] =	sst s8  }
0x11: {  	[smem:$0x3FB7] =	sst s9;
	s0 =	simm.s32 @!p0 $0x0  }
0x12: {  	s1 =	sld [smem:$0x3F9D];
	s0 =	simm.s32 @p0 $0x1  }
0x13: {  	[smem:$0x3FB8] =	sst s0;
	s0 =	simm.s32 @!p1 $0x0  }
0x14: {  	s2 =	sld [smem:$0x3F9C];
	s0 =	simm.s32 @p1 $0x1  }
0x15: {  	[smem:$0x3FB9] =	sst s0;
	s0 =	simm.s32 @!p2 $0x0  }
0x16: {  	s3 =	sld [smem:$0x3FDB];
	s0 =	simm.s32 @p2 $0x1  }
0x17: {  	s4 =	simm.s32 $0x1BF5;
	[smem:$0x3FBB] =	sst s0  }
0x18: {  	s0 =	sld [smem:$0x3F9E];
	_ =	swait.ge [sflag:s4], $0x0  }
0x19: {  	s7 =	sld [smem:$0x3F9F]  }
0x1a: {  	s8 =	sadd.s32 $0xFFFFE003, lr  }
0x1b: {  	s9 =	sadd.s32 $0xFFFFFEF7, lr;
	s5 =	simm.s32 $0xFFFFFFFF;
	p2 =	slt.u32 s8, $0xFFFFF086  }
0x1c: {  	p1 =	slt.u32 s9, $0xF7A;
	s5 =	simm.s32 @!p2 $0x0  }
0x1d: {  	s5 =	simm.s32 @p1 $0x1;
	p0 =	seq.s32 s7, s2  }
0x1e: {  	s7 =	smul.u32 @!p0 $0xF7A, s2;
	p2 =	seq.s32 @!p0 s5, $0x0  }
0x1f: {  	s9 =	smul.u32 $0xF7A, s1;
	s8 =	simm.s32 @!p0 $0x1BF5;
	p2 =	por !p2, p0  }
0x20: {  	[sflag:s8] =	ssyncset.s32 @!p0 $0xFFFFF086;
	s6 =	sadd.s32 @!p0 s3, s7;
	s7 =	simm.s32 @!p0 $0x108  }
0x21: {  	s3 =	sadd.s32 s3, s9;
	s6 =	sadd.s32 @!p0 $0x88, s6;
	s7 =	simm.s32 @p2 $0x1082  }
0x22: {  	[simem:s7], [sflag:s8] =	dma.local @!p0 [hbm:s6], $0xF7A  }
0x23: {  	s9 =	sor.u32 $0xD0000000, s2;
	s6 =	simm.s32 $0x108;
	_ =	swait.ge @!p0 [sflag:s8], $0x0  }
0x24: {  	s3 =	sadd.s32 $0x88, s3;
	s6 =	simm.s32 @!p1 $0x1082;
	[sflag:s4] =	ssyncset.s32 $0xFFFFF086  }
0x25: {  	[simem:s6], [sflag:s4] =	dma.local [hbm:s3], $0xF7A  }
0x26: {  	[smem:$0x3F9F] =	sst s1;
	(tag) =	ssettag s2;
	_ =	strace s9  }
0x27: {  	s1 =	sld [smem:$0x3FAF]  }
0x28: {  	s2 =	sld [smem:$0x3FB0]  }
0x29: {  	s4 =	sld [smem:$0x3FB2]  }
0x2a: {  	p0 =	seq.s32 s5, $0x0;
	s5 =	sld [smem:$0x3FB3]  }
0x2b: {  	s6 =	sld [smem:$0x3FB4]  }
0x2c: {  	s7 =	sld [smem:$0x3FB5]  }
0x2d: {  	s3 =	simm.s32 $0x108;
	s8 =	sld [smem:$0x3FB6]  }
0x2e: {  	s3 =	simm.s32 @!p0 $0x1082;
	s9 =	sld [smem:$0x3FB7]  }
0x2f: {  	lr =	sadd.s32 s0, s3;
	s0 =	sld [smem:$0x3FAE]  }
0x30: {  	s3 =	sld [smem:$0x3FB1]  }
0x31: {  	[smem:$0x3FBA] =	sst s10  }
0x32: {  	s10 =	sld [smem:$0x3FB8];
	_ =	sdelay $0x3  }
0x33: {  	p0 =	seq.s32 s10, $0x1;
	s10 =	sld [smem:$0x3FBA];
	_ =	sdelay $0x3  }
0x34: {  	[smem:$0x3FBA] =	sst s10  }
0x35: {  	s10 =	sld [smem:$0x3FB9];
	_ =	sdelay $0x3  }
0x36: {  	p1 =	seq.s32 s10, $0x1;
	s10 =	sld [smem:$0x3FBA];
	_ =	sdelay $0x3  }
0x37: {  	[smem:$0x3FBA] =	sst s10  }
0x38: {  	s10 =	sld [smem:$0x3FBB]  }
0x39: {  	_ = 	snop;
	(pc) =	sbr.ind lr, $3  }
0x3a: {  	_ = 	snop  }
0x3b: {  	_ = 	snop  }
0x3c: {  	p2 =	seq.s32 s10, $0x1;
	s10 =	sld [smem:$0x3FBA]  }
0x3d: {  	_ =	shalt  }
0x3e: {  	_ =	shalt  }
0x3f: {  	_ =	shalt  }
0x40: {  	_ =	shalt  }
0x41: {  	_ =	shalt  }
0x42: {  	_ =	shalt  }
0x43: {  	_ =	shalt  }
0x44: {  	_ =	shalt  }
0x45: {  	_ =	shalt  }
0x46: {  	_ =	shalt  }
0x47: {  	_ =	shalt  }
0x48: {  	_ =	shalt  }
0x49: {  	_ =	shalt  }
0x4a: {  	_ =	shalt  }
0x4b: {  	_ =	shalt  }
0x4c: {  	_ =	shalt  }
0x4d: {  	_ =	shalt  }
0x4e: {  	_ =	shalt  }
0x4f: {  	_ =	shalt  }
0x50: {  	_ =	shalt  }
0x51: {  	_ =	shalt  }
0x52: {  	_ =	shalt  }
0x53: {  	_ =	shalt  }
0x54: {  	_ =	shalt  }
0x55: {  	_ =	shalt  }
0x56: {  	_ =	shalt  }
0x57: {  	_ =	shalt  }
0x58: {  	_ =	shalt  }
0x59: {  	_ =	shalt  }
0x5a: {  	_ =	shalt  }
0x5b: {  	_ =	shalt  }
0x5c: {  	_ =	shalt  }
0x5d: {  	_ =	shalt  }
0x5e: {  	_ =	shalt  }
0x5f: {  	_ =	shalt  }
0x60: {  	_ =	shalt  }
0x61: {  	_ =	shalt  }
0x62: {  	_ =	shalt  }
0x63: {  	_ =	shalt  }
0x64: {  	_ =	shalt  }
0x65: {  	_ =	shalt  }
0x66: {  	_ =	shalt  }
0x67: {  	_ =	shalt  }
0x68: {  	_ =	shalt  }
0x69: {  	_ =	shalt  }
0x6a: {  	_ =	shalt  }
0x6b: {  	_ =	shalt  }
0x6c: {  	_ =	shalt  }
0x6d: {  	_ =	shalt  }
0x6e: {  	_ =	shalt  }
0x6f: {  	_ =	shalt  }
0x70: {  	_ =	shalt  }
0x71: {  	_ =	shalt  }
0x72: {  	_ =	shalt  }
0x73: {  	_ =	shalt  }
0x74: {  	_ =	shalt  }
0x75: {  	_ =	shalt  }
0x76: {  	_ =	shalt  }
0x77: {  	_ =	shalt  }
0x78: {  	_ =	shalt  }
0x79: {  	_ =	shalt  }
0x7a: {  	_ =	shalt  }
0x7b: {  	_ =	shalt  }
0x7c: {  	_ =	shalt  }
0x7d: {  	_ =	shalt  }
0x7e: {  	_ =	shalt  }
0x7f: {  	_ =	shalt  }
0x80: {  	_ =	shalt  }
0x81: {  	_ =	shalt  }
0x82: {  	_ =	shalt  }
0x83: {  	_ =	shalt  }
0x84: {  	_ =	shalt  }
0x85: {  	_ =	shalt  }
0x86: {  	_ =	shalt  }
0x87: {  	_ =	shalt  }
.Lfunc_end0:
.L_simem_size_0:
called_computation_lowered:
.L_overlay_start_0:
0x88: {  	s0 =	sld [smem:$0x3FD9]  }
0x89: {  	s1 =	sld [smem:$0x3FFE];
	_ =	sdelay $0x3  }
0x8a: {  	s0 =	sadd.s32 s1, s0  }
0x8b: {  	[smem:$0x3FC6] =	sst s0  }
0x8c: {  	_ = 	snop  }
0x8d: {  	s0 =	sld [smem:$0x3FC9]  }
0x8e: {  	s17 =	sld [smem:$0x3FC8]  }
0x8f: {  	s2 =	sld [smem:$0x3FD0];
	(tm) =	ssettm $0x1  }
0x90: {  	s3 =	sld [smem:$0x3FFB];
	_ =	sdelay $0x3  }
0x91: {  	_ =	strace s3  }
0x92: {  	s3 =	sld [smem:$0x3FFC];
	_ =	sdelay $0x3  }
0x93: {  	_ =	strace s3  }
0x94: {  	s3 =	sld [smem:$0x3FFD];
	_ =	sdelay $0x3  }
0x95: {  	_ =	strace s3  }
0x96: {  	_ =	strace $0x8FFFFFFF  }
0x97: {  	s18 =	sld [smem:$0x3FDB];
	_ =	sdelay $0x1  }
0x98: {  	s4 =	simm.s32 $_scs_section_size  }
0x99: {  	s5 =	simm.s32 $_size__tile_overlayer_lowered;
	s6 =	simm.s32 $_tile_overlayer_lowered  }
0x9a: {  	s21 =	simm.s32 $0x1BFF;
	s20 =	sshll.u32 s6, $0x1;
	s3 =	sadd.s32 s4, s18  }
0x9b: {  	s7 =	simm.s32 $0x0;
	s19 =	sshll.u32 s5, $0x1;
	s5 =	sadd.s32 s20, s3  }
0x9c: {  	[timem:s7], [sflag:s21] =	dma.local [hbm:s5], s19  }
0x9d: {  	_ =	swait.ge [sflag:s21], s19  }
0x9e: {  	s4 =	ssub.s32 $0x0, s19;
	[sflag:s21] =	ssyncset.done $0x0  }
0x9f: {  	[sflag:s21] =	ssyncadd.s32 s4;
	_ =	sdelay $0x1  }
0xa0: {  	s22 =	simm.s32 $0x1B8B  }
0xa1: {  	_ =	swait.ge [sflag:s22], $0x1  }
0xa2: {  	[sflag:s22] =	ssyncset.done $0x0  }
0xa3: {  	s23 =	simm.s32 $0x1B8E;
	[sflag:s22] =	ssyncadd.s32 $0xFFFFFFFF  }
0xa4: {  	s24 =	simm.s32 $execute0_lowered;
	[smem:$0x3FD2] =	sst s23  }
0xa5: {  	s4 =	sshll.u32 s24, $0x1;
	_ =	strace $0x80000046;
	[dreg:$0x1] =	wrdreg $0xFFFFFFFF  }
0xa6: {  	s25 =	simm.s32 $_size_execute0_lowered;
	s3 =	sadd.s32 s3, s4;
	[dreg:$0x0] =	wrdreg $0x0  }
0xa7: {  	s4 =	sshll.u32 s25, $0x1;
	[dreg:$0x2] =	wrdreg s3  }
0xa8: {  	[dreg:$0x3] =	wrdreg s4  }
0xa9: {  	[dreg:$0x4] =	wrdreg $0xC0  }
0xaa: {  	_ =	task [dreg:s7], $0x5FFFF  }
0xab: {  	[dreg:$0x1] =	wrdreg $0xFFFFFFFF  }
0xac: {  	[dreg:$0x0] =	wrdreg $0x60  }
0xad: {  	[dreg:$0x2] =	wrdreg s17  }
0xae: {  	[dreg:$0x3] =	wrdreg s0  }
0xaf: {  	[dreg:$0x4] =	wrdreg s2  }
0xb0: {  	[dreg:$0x5] =	wrdreg $0x9  }
0xb1: {  	_ =	task.clear_ibuf [dreg:s7], $0x6FFFF;
	_ =	strace $0x90000046  }
0xb2: {  	s26 =	simm.s32 $0x9;
	_ =	strace $0x80000048  }
0xb3: {  	_ =	swait.ge [sflag:s26], $0x1  }
0xb4: {  	[sflag:s26] =	ssyncadd.s32 $0xFFFFFFFF  }
0xb5: {  	_ =	strace $0x90000048  }
0xb6: {  	_ =	sfence  }
0xb7: {  	s28 =	sld [smem:$0x0];
	_ =	sdelay $0x1  }
0xb8: {  	s29 =	srdreg.scid  }
0xb9: {  	s30 =	sshll.u32 s29, $0xD;
	s31 =	sshrl.u32 s29, $0x2  }
0xba: {  	s1 =	sand.u32 $0x1, s29;
	s2 =	sand.u32 $0x4000, s30;
	s0 =	sadd.s32 s31, s28  }
0xbb: {  	s1 =	sor.u32 s2, s1;
	s0 =	sshll.u32 s0, $0x11  }
0xbc: {  	s0 =	sor.u32 s0, s1  }
0xbd: {  	s0 =	sadd.s32 $0x8F2B, s0  }
0xbe: {  	[sflag:s0] =	ssyncadd.remote.s32 $0x1  }
0xbf: {  	_ =	sfence.sel $0xFFFF  }
0xc0: {  	[dreg:$0x0] =	wrdreg $0xFFFFFFFF;
	(pc) =	sbr.abs _section_cstart, $3  }
0xc1: {  	[dreg:$0x1] =	wrdreg $0xFFFFFFFF  }
0xc2: {  	_ =	task.clear_ibuf [dreg:s7], $0x2FFFF;
	_ =	strace $0x9FFFFFFF  }
0xc3: {  	(tm) =	ssettm $0x7FFFFFFF  }
tec
execute0_lowered:
.L_overlay_start_1:
0x0: {  	(tag) =	ssettag $0x1  }
0x1: {  	s3 =	rddreg [dreg:$0x0]  }
0x2: {  	s4 =	rddreg [dreg:$0x1]  }
0x3: {  	s5 =	rddreg [dreg:$0x2]  }
0x4: {  	s0 =	rddreg [dreg:$0x3];
	s2 =	simm.s32 $0x0;
	s1 =	stileid.u32  }
0x5: {  	[smem:$0x7FF] =	sst s2;
	s6 =	sshll.u32 s1, $0x7  }
0x6: {  	s30 =	simm.s32 $0x9;
	_ =	strace $0x80000047;
	s4 =	sadd.s32 s4, s6  }
0x7: {  	[tilespmem:s2], [sflag:$0x9] =	stream.linear.gather [hbm4b:s4+s2], $0x400, $0x38;
	[tilespmem:$0x800] =	vst v63  }
0x8: {  	_ =	swait.ge [sflag:s30], $0x400  }
0x9: {  	[sflag:s30] =	ssyncset.done $0x0  }
0xa: {  	s31 =	simm.s32 $0x80;
	s7 =	simm.s32 $0x400;
	[sflag:s30] =	ssyncadd.s32 $0xFFFFFC00  }
0xb: {  	[tilespmem:s7], [sflag:$0x1] =	stream.indirect.gather [hbm4b:s3+s31], $0x1, s2, s31, $0xb8;
	[tilespmem:$0x800] =	vst v63  }
0xc: {  	s8 =	simm.s32 $0x480  }
0xd: {  	[tilespmem:s8], [sflag:$0x2] =	stream.indirect.gather [hbm4b:s3+s31], $0x1, s31, s31, $0xb8;
	[tilespmem:$0x800] =	vst v63  }
0xe: {  	s9 =	simm.s32 $0x100;
	s10 =	simm.s32 $0x500  }
0xf: {  	[tilespmem:s10], [sflag:$0x3] =	stream.indirect.gather [hbm4b:s3+s31], $0x1, s9, s31, $0xb8;
	[tilespmem:$0x800] =	vst v63  }
0x10: {  	s12 =	simm.s32 $0x180;
	s11 =	simm.s32 $0x580  }
0x11: {  	[tilespmem:s11], [sflag:$0x4] =	stream.indirect.gather [hbm4b:s3+s31], $0x1, s12, s31, $0xb8;
	[tilespmem:$0x800] =	vst v63  }
0x12: {  	s13 =	simm.s32 $0x200;
	s12 =	simm.s32 $0x600  }
0x13: {  	[tilespmem:s12], [sflag:$0x5] =	stream.indirect.gather [hbm4b:s3+s31], $0x1, s13, s31, $0xb8;
	[tilespmem:$0x800] =	vst v63  }
0x14: {  	s14 =	simm.s32 $0x280;
	s13 =	simm.s32 $0x680  }
0x15: {  	[tilespmem:s13], [sflag:$0x6] =	stream.indirect.gather [hbm4b:s3+s31], $0x1, s14, s31, $0xb8;
	[tilespmem:$0x800] =	vst v63  }
0x16: {  	s15 =	simm.s32 $0x300;
	s14 =	simm.s32 $0x700  }
0x17: {  	[tilespmem:s14], [sflag:$0x7] =	stream.indirect.gather [hbm4b:s3+s31], $0x1, s15, s31, $0xb8;
	[tilespmem:$0x800] =	vst v63  }
0x18: {  	s16 =	simm.s32 $0x380;
	s17 =	simm.s32 $0x1;
	s15 =	simm.s32 $0x780  }
0x19: {  	[tilespmem:s15], [sflag:$0x8] =	stream.indirect.gather [hbm4b:s3+s31], $0x1, s16, s31, $0xb8;
	[tilespmem:$0x800] =	vst v63  }
0x1a: {  	_ =	swait.ge [sflag:s17], $0x80  }
0x1b: {  	[sflag:s17] =	ssyncset.done $0x0  }
0x1c: {  	s19 =	simm.s32 $0x2;
	s18 =	sadd.s32 s5, s6;
	[sflag:s17] =	ssyncadd.s32 $0xFFFFFF80  }
0x1d: {  	[hbm4b:s18+s2] =	stream.linear.scatter [tilespmem:s7], [sflag:$0x1], $0x80, $0x38;
	[tilespmem:$0x800] =	vst v63  }
0x1e: {  	_ =	swait.ge [sflag:s19], $0x80  }
0x1f: {  	[sflag:s19] =	ssyncset.done $0x0  }
0x20: {  	s20 =	simm.s32 $0x3;
	s6 =	sadd.s32 $0x10, s18;
	[sflag:s19] =	ssyncadd.s32 $0xFFFFFF80  }
0x21: {  	[hbm4b:s6+s2] =	stream.linear.scatter [tilespmem:s8], [sflag:$0x2], $0x80, $0x38;
	[tilespmem:$0x800] =	vst v63  }
0x22: {  	_ =	swait.ge [sflag:s20], $0x80  }
0x23: {  	[sflag:s20] =	ssyncset.done $0x0  }
0x24: {  	s22 =	simm.s32 $0x4;
	s21 =	sadd.s32 $0x20, s18;
	[sflag:s20] =	ssyncadd.s32 $0xFFFFFF80  }
0x25: {  	[hbm4b:s21+s2] =	stream.linear.scatter [tilespmem:s10], [sflag:$0x3], $0x80, $0x38;
	[tilespmem:$0x800] =	vst v63  }
0x26: {  	_ =	swait.ge [sflag:s22], $0x80  }
0x27: {  	[sflag:s22] =	ssyncset.done $0x0  }
0x28: {  	s24 =	simm.s32 $0x5;
	s23 =	sadd.s32 $0x30, s18;
	[sflag:s22] =	ssyncadd.s32 $0xFFFFFF80  }
0x29: {  	[hbm4b:s23+s2] =	stream.linear.scatter [tilespmem:s11], [sflag:$0x4], $0x80, $0x38;
	[tilespmem:$0x800] =	vst v63  }
0x2a: {  	_ =	swait.ge [sflag:s24], $0x80  }
0x2b: {  	[sflag:s24] =	ssyncset.done $0x0  }
0x2c: {  	s26 =	simm.s32 $0x6;
	s25 =	sadd.s32 $0x40, s18;
	[sflag:s24] =	ssyncadd.s32 $0xFFFFFF80  }
0x2d: {  	[hbm4b:s25+s2] =	stream.linear.scatter [tilespmem:s12], [sflag:$0x5], $0x80, $0x38;
	[tilespmem:$0x800] =	vst v63  }
0x2e: {  	_ =	swait.ge [sflag:s26], $0x80  }
0x2f: {  	[sflag:s26] =	ssyncset.done $0x0  }
0x30: {  	s29 =	simm.s32 $0x7;
	s28 =	sadd.s32 $0x50, s18;
	[sflag:s26] =	ssyncadd.s32 $0xFFFFFF80  }
0x31: {  	[hbm4b:s28+s2] =	stream.linear.scatter [tilespmem:s13], [sflag:$0x6], $0x80, $0x38;
	[tilespmem:$0x800] =	vst v63  }
0x32: {  	_ =	swait.ge [sflag:s29], $0x80  }
0x33: {  	[sflag:s29] =	ssyncset.done $0x0  }
0x34: {  	s30 =	sadd.s32 $0x60, s18;
	s31 =	simm.s32 $0x8;
	[sflag:s29] =	ssyncadd.s32 $0xFFFFFF80  }
0x35: {  	[hbm4b:s30+s2] =	stream.linear.scatter [tilespmem:s14], [sflag:$0x7], $0x80, $0x38;
	[tilespmem:$0x800] =	vst v63  }
0x36: {  	_ =	swait.ge [sflag:s31], $0x80  }
0x37: {  	[sflag:s31] =	ssyncset.done $0x0  }
0x38: {  	s4 =	sadd.s32 $0x70, s18;
	[sflag:s31] =	ssyncadd.s32 $0xFFFFFF80  }
0x39: {  	[hbm4b:s4+s2] =	stream.linear.scatter [tilespmem:s15], [sflag:$0x8], $0x80, $0x38;
	[tilespmem:$0x800] =	vst v63  }
0x3a: {  	_ =	swait.ge [sflag:s17], $0x80  }
0x3b: {  	[sflag:s17] =	ssyncset.done $0x0  }
0x3c: {  	[sflag:s17] =	ssyncadd.s32 $0xFFFFFF80  }
0x3d: {  	_ =	swait.ge [sflag:s19], $0x80  }
0x3e: {  	[sflag:s19] =	ssyncset.done $0x0  }
0x3f: {  	[sflag:s19] =	ssyncadd.s32 $0xFFFFFF80  }
0x40: {  	_ =	swait.ge [sflag:s20], $0x80  }
0x41: {  	[sflag:s20] =	ssyncset.done $0x0  }
0x42: {  	[sflag:s20] =	ssyncadd.s32 $0xFFFFFF80  }
0x43: {  	_ =	swait.ge [sflag:s22], $0x80  }
0x44: {  	[sflag:s22] =	ssyncset.done $0x0  }
0x45: {  	[sflag:s22] =	ssyncadd.s32 $0xFFFFFF80  }
0x46: {  	_ =	swait.ge [sflag:s24], $0x80  }
0x47: {  	[sflag:s24] =	ssyncset.done $0x0  }
0x48: {  	[sflag:s24] =	ssyncadd.s32 $0xFFFFFF80  }
0x49: {  	_ =	swait.ge [sflag:s26], $0x80  }
0x4a: {  	[sflag:s26] =	ssyncset.done $0x0  }
0x4b: {  	[sflag:s26] =	ssyncadd.s32 $0xFFFFFF80  }
0x4c: {  	_ =	swait.ge [sflag:s29], $0x80  }
0x4d: {  	[sflag:s29] =	ssyncset.done $0x0  }
0x4e: {  	[sflag:s29] =	ssyncadd.s32 $0xFFFFFF80  }
0x4f: {  	_ =	swait.ge [sflag:s31], $0x80  }
0x50: {  	[sflag:s31] =	ssyncset.done $0x0  }
0x51: {  	[sflag:s31] =	ssyncadd.s32 $0xFFFFFF80  }
0x52: {  	_ =	sfence.sel $0x180000  }
0x53: {  	[bflag:$0x0] =	sbarrier.arrive $0xFFFF  }
0x54: {  	p0 =	sne.s32 s1, $0x0;
	_ =	strace $0x90000047  }
0x55: {  	s0 =	sadd.s32 @!p0 $0x100000, s0;
	[bflag:$0x2] =	sbarrier.arrive $0xFFFF  }
0x56: {  	[sflag:s0] =	ssyncadd.tile.s32 @!p0 $0x1;
	_ =	shalt  }
.Lfunc_end2:
_tile_overlayer_lowered:
.L_overlay_start_2:
0x57: {  	(tag) =	ssettag $0x2  }
0x58: {  	s0 =	rddreg [dreg:$0x0];
	s2 =	stileid.u32  }
0x59: {  	s1 =	rddreg [dreg:$0x1];
	p0 =	sne.s32 s2, $0x0  }
0x5a: {  	s3 =	rddreg [dreg:$0x2];
	[bflag:$0x3] =	sbarrier.arrive $0xFFFF;
	s2 =	simm.s32 @!p0 $0x1C09  }
0x5b: {  	[timem:s3], [sflag:s2] =	dma.local @!p0 [hbm:s0], s1  }
0x5c: {  	s0 =	simm.s32 @!p0 $0x9  }
0x5d: {  	_ =	swait.ge @!p0 [sflag:s0], s1  }
0x5e: {  	s1 =	ssub.s32 @!p0 $0x0, s1;
	[sflag:s0] =	ssyncset.done @!p0 $0x0  }
0x5f: {  	[sflag:s0] =	ssyncadd.s32 @!p0 s1  }
0x60: {  	[bflag:$0x3] =	sbarrier.arrive $0xFFFF  }
0x61: {  	_ =	shalt  }

</sc_bundles>
